<compile_context>
chip_gen: v7x
topology: tpu7x:2x2x1
jax: 0.10.2.dev20260603
libtpu: 0.0.44.dev20260713+nightly
codegen_flags: <defaults>
</compile_context>

<pallas_src>
import jax
import jax.numpy as jnp
from jax import lax
from jax.experimental import pallas as pl
from jax.experimental.pallas import tpu as pltpu
from jax.experimental.pallas import tpu_sc as plsc

BATCH = 16384
FEAT = 64
NC, NS = 2, 16
NW = NC * NS
B_PER_W = BATCH // NW
PG = 128
STAGE_ROWS = 64
NB = 7
LOOKAHEAD = NB - 2


def kernel(item_index, mu_table, logvar_table):
    idx = item_index.reshape(BATCH).astype(jnp.int32)
    order = jnp.argsort(idx)
    sidx = idx[order]
    inv = jnp.zeros((BATCH,), jnp.int32).at[order].set(lax.iota(jnp.int32, BATCH))

    seg_pages = (sidx >> 7).reshape(NW, B_PER_W)
    newpage = jnp.concatenate(
        [jnp.ones((NW, 1), bool), seg_pages[:, 1:] != seg_pages[:, :-1]], axis=1
    )
    slots = jnp.cumsum(newpage, axis=1).astype(jnp.int32) - 1
    nuniq = slots[:, -1] + 1
    w_rows = jnp.broadcast_to(lax.iota(jnp.int32, NW)[:, None], (NW, B_PER_W))
    upages = jnp.zeros((NW, B_PER_W), jnp.int32).at[w_rows, slots].set(seg_pages)

    tt_mu = mu_table.T
    tt_lv = logvar_table.T
    mesh = plsc.VectorSubcoreMesh(core_axis_name="core", subcore_axis_name="subcore")
    out_type = jax.ShapeDtypeStruct((BATCH, 2 * FEAT), jnp.float32)

    @pl.kernel(
        out_type=out_type,
        mesh=mesh,
        scratch_types=[
            pltpu.VMEM((B_PER_W,), jnp.int32),
            pltpu.VMEM((B_PER_W,), jnp.int32),
            pltpu.VMEM((B_PER_W,), jnp.int32),
            pltpu.VMEM((NW,), jnp.int32),
            pltpu.VMEM((NB, 2, FEAT, PG), jnp.float32),
            pltpu.VMEM((STAGE_ROWS, 2 * FEAT), jnp.float32),
            pltpu.SemaphoreType.DMA((NB,)),
        ],
        compiler_params=pltpu.CompilerParams(
            use_tc_tiling_on_sc=True, needs_layout_passes=False
        ),
    )
    def sc_gather(
        mu_hbm, lv_hbm, si_hbm, sl_hbm, up_hbm, nq_hbm, o_hbm,
        sidx_v, slot_v, upage_v, nq_v, bufs, stage, sems,
    ):
        wid = lax.axis_index("subcore") * NC + lax.axis_index("core")
        base = wid * B_PER_W
        pltpu.sync_copy(si_hbm.at[pl.ds(base, B_PER_W)], sidx_v)
        pltpu.sync_copy(sl_hbm.at[wid], slot_v)
        pltpu.sync_copy(up_hbm.at[wid], upage_v)
        pltpu.sync_copy(nq_hbm, nq_v)

        iotas = [lax.iota(jnp.int32, 16) + 16 * c for c in range(4)]

        def sload(ref, pos):
            g = (pos >> 4) << 4
            v = ref[pl.ds(g, 16)]
            m = lax.iota(jnp.int32, 16) == (pos - g)
            return jnp.sum(jnp.where(m, v, 0))

        nq = sload(nq_v, wid)

        def fire(u):
            b = jnp.remainder(u, NB)
            po = pl.multiple_of(sload(upage_v, u) * PG, PG)
            pltpu.async_copy(mu_hbm.at[:, pl.ds(po, PG)], bufs.at[b, 0], sems.at[b])
            pltpu.async_copy(lv_hbm.at[:, pl.ds(po, PG)], bufs.at[b, 1], sems.at[b])

        def drain(u):
            b = jnp.remainder(u, NB)
            for _ in range(2):
                pltpu.make_async_copy(
                    mu_hbm.at[:, pl.ds(0, PG)], bufs.at[b, 0], sems.at[b]
                ).wait()

        def extract(pos, s):
            b = jnp.remainder(s, NB)
            i = sload(sidx_v, pos)
            lanev = jnp.zeros((16,), jnp.int32) + (i & 127)
            slot = pos & (STAGE_ROWS - 1)
            for t in range(2):
                for c in range(4):
                    v = plsc.load_gather(bufs.at[b, t], [iotas[c], lanev])
                    stage[slot, pl.ds(t * FEAT + 16 * c, 16)] = v

        def body(p, carry):
            fired, drained = carry
            s = sload(slot_v, p)
            fire_end = jnp.minimum(nq, s + LOOKAHEAD + 1)

            @pl.loop(fired, fire_end)
            def _(u):
                fire(u)

            @pl.loop(drained, s + 1)
            def _(u):
                drain(u)

            extract(p, s)

            @pl.when((p & (STAGE_ROWS - 1)) == STAGE_ROWS - 1)
            def _():
                pg_row = base + (p >> 6) * STAGE_ROWS
                pltpu.sync_copy(stage, o_hbm.at[pl.ds(pg_row, STAGE_ROWS)])

            return (jnp.maximum(fired, fire_end), jnp.maximum(drained, s + 1))

        @pl.loop(0, B_PER_W, init_carry=(jnp.int32(0), jnp.int32(0)))
        def _(p, carry):
            return body(p, carry)

    staging = sc_gather(tt_mu, tt_lv, sidx, slots, upages, nuniq)

    inv2 = inv.reshape(NW * 4, 128)

    @pl.kernel(
        out_type=jax.ShapeDtypeStruct((BATCH, 2 * FEAT), jnp.float32),
        mesh=mesh,
        scratch_types=[
            pltpu.VMEM((4, 128), jnp.int32),
            pltpu.VMEM((B_PER_W, 2 * FEAT), jnp.float32),
            pltpu.SemaphoreType.DMA,
        ],
        compiler_params=pltpu.CompilerParams(use_tc_tiling_on_sc=True),
    )
    def sc_unsort(st_hbm, i_hbm, o_hbm, idx_v, rows_v, sem):
        wid = lax.axis_index("subcore") * NC + lax.axis_index("core")
        base = wid * B_PER_W
        pltpu.sync_copy(i_hbm.at[pl.ds(wid * 4, 4)], idx_v)
        copies = [
            pltpu.async_copy(st_hbm.at[idx_v.at[j]], rows_v.at[pl.ds(j * 128, 128)], sem)
            for j in range(4)
        ]
        for c in copies:
            c.wait()
        pltpu.sync_copy(rows_v, o_hbm.at[pl.ds(base, B_PER_W)])

    out = sc_unsort(staging, inv2)
    return out[:, :FEAT], out[:, FEAT:]

# --- scband reference (transcript-rebuilt; emitter-appended) ---
"""Pipeline reference for scband-item-inference-network-1580547970906 (READ-ONLY COPY).

The authoritative reference and input builder live on the scoring server;
editing this copy changes nothing except your own understanding.
"""

import jax, jax.numpy as jnp
import numpy as np

NUM_ITEM = 1000000
ITEM_FEAT_DIM = 64
BATCH = 16384

def setup_inputs(seed: int = 0) -> dict:
    key = jax.random.key(seed)
    k1, k2, k3 = jax.random.split(key, 3)
    item_index = jax.random.randint(k1, (BATCH, 1), 0, NUM_ITEM, dtype=jnp.int64)
    mu_table = jax.random.normal(k2, (NUM_ITEM, ITEM_FEAT_DIM), dtype=jnp.float32)
    logvar_table = jax.random.normal(k3, (NUM_ITEM, ITEM_FEAT_DIM), dtype=jnp.float32)
    return {"item_index": item_index, "mu_table": mu_table, "logvar_table": logvar_table}

def reference(item_index, mu_table, logvar_table):
    idx = jnp.squeeze(item_index, axis=1).astype(jnp.int32)
    mu = jnp.take(mu_table, idx, axis=0)
    logvar = jnp.take(logvar_table, idx, axis=0)
    return (mu, logvar)

if __name__ == "__main__":
    import jax
    _d = setup_inputs()
    print(jax.jit(kernel)(*tuple(_d.values())))

</pallas_src>

<mosaic_0001>
#map = affine_map<(d0, d1) -> (0, 0)>
#map1 = affine_map<(d0, d1) -> (0)>
module attributes {stable_mosaic.version = 14 : i64} {
  func.func @sc_gather(%arg0: i32, %arg1: i32, %arg2: memref<64x1000000xf32, #tpu.memory_space<hbm>>, %arg3: memref<64x1000000xf32, #tpu.memory_space<hbm>>, %arg4: memref<16384xi32, #tpu.memory_space<hbm>>, %arg5: memref<32x512xi32, #tpu.memory_space<hbm>>, %arg6: memref<32x512xi32, #tpu.memory_space<hbm>>, %arg7: memref<32xi32, #tpu.memory_space<hbm>>, %arg8: memref<16384x128xf32, #tpu.memory_space<hbm>>, %arg9: memref<512xi32, #tpu.memory_space<vmem>>, %arg10: memref<512xi32, #tpu.memory_space<vmem>>, %arg11: memref<512xi32, #tpu.memory_space<vmem>>, %arg12: memref<32xi32, #tpu.memory_space<vmem>>, %arg13: memref<7x2x64x128xf32, #tpu.memory_space<vmem>>, %arg14: memref<64x128xf32, #tpu.memory_space<vmem>>, %arg15: memref<7x!tpu.dma_semaphore, #tpu.memory_space<semaphore_mem>>) attributes {dimension_semantics = [#tpu.dimension_semantics<core_parallel>, #tpu.dimension_semantics<subcore_parallel>], iteration_bounds = array<i64: 2, 16>, scalar_prefetch = 0 : i64, scratch_operands = 7 : i64, tpu.core_type = #tpu.core_type<sc_vector_subcore>, window_params = [{transform_indices = #map}, {transform_indices = #map}, {transform_indices = #map1}, {transform_indices = #map}, {transform_indices = #map}, {transform_indices = #map1}, {transform_indices = #map}]} {
    %mul3A = arith.constant 2 : i32
    %mul3A_0 = arith.muli %arg1, %mul3A : i32
    %add3A = arith.addi %mul3A_0, %arg0 : i32
    %mul3A_1 = arith.constant 512 : i32
    %mul3A_2 = arith.muli %add3A, %mul3A_1 : i32
    "tpu.region"() ({
      %run_scoped3A = tpu.sem_alloc : memref<!tpu.dma_semaphore, #tpu.memory_space<semaphore_mem>>
      %dma_start3A = tpu.memref_slice %arg4[%mul3A_2] : memref<16384xi32, #tpu.memory_space<hbm>> -> memref<512xi32, #tpu.memory_space<hbm>>
      %dma_start3A_33 = tpu.memref_slice %arg4[%mul3A_2] : memref<16384xi32, #tpu.memory_space<hbm>> -> memref<512xi32, #tpu.memory_space<hbm>>
      tpu.enqueue_dma source(%dma_start3A_33 : memref<512xi32, #tpu.memory_space<hbm>>) target(%arg9 : memref<512xi32, #tpu.memory_space<vmem>>) target_semaphore(%run_scoped3A : memref<!tpu.dma_semaphore, #tpu.memory_space<semaphore_mem>>)
      %dma_wait3A = tpu.memref_slice %arg4[%mul3A_2] : memref<16384xi32, #tpu.memory_space<hbm>> -> memref<512xi32, #tpu.memory_space<hbm>>
      %dma_wait3A_34 = tpu.memref_slice %arg4[%mul3A_2] : memref<16384xi32, #tpu.memory_space<hbm>> -> memref<512xi32, #tpu.memory_space<hbm>>
      tpu.wait_dma2 semaphore(%run_scoped3A : memref<!tpu.dma_semaphore, #tpu.memory_space<semaphore_mem>>) src(%dma_wait3A_34 : memref<512xi32, #tpu.memory_space<hbm>>) dst(%arg9 : memref<512xi32, #tpu.memory_space<vmem>>)
      tpu.yield
    }) : () -> ()
    "tpu.region"() ({
      %run_scoped3A = tpu.sem_alloc : memref<!tpu.dma_semaphore, #tpu.memory_space<semaphore_mem>>
      %dma_start3A = arith.constant 0 : i32
      %dma_start3A_33 = tpu.memref_slice %arg5[%add3A, %dma_start3A] : memref<32x512xi32, #tpu.memory_space<hbm>> -> memref<1x512xi32, #tpu.memory_space<hbm>>
      %dma_start3A_34 = tpu.memref_squeeze %dma_start3A_33 : memref<1x512xi32, #tpu.memory_space<hbm>> -> memref<512xi32, #tpu.memory_space<hbm>>
      %dma_start3A_35 = arith.constant 0 : i32
      %dma_start3A_36 = tpu.memref_slice %arg5[%add3A, %dma_start3A_35] : memref<32x512xi32, #tpu.memory_space<hbm>> -> memref<1x512xi32, #tpu.memory_space<hbm>>
      %dma_start3A_37 = tpu.memref_squeeze %dma_start3A_36 : memref<1x512xi32, #tpu.memory_space<hbm>> -> memref<512xi32, #tpu.memory_space<hbm>>
      tpu.enqueue_dma source(%dma_start3A_37 : memref<512xi32, #tpu.memory_space<hbm>>) target(%arg10 : memref<512xi32, #tpu.memory_space<vmem>>) target_semaphore(%run_scoped3A : memref<!tpu.dma_semaphore, #tpu.memory_space<semaphore_mem>>)
      %dma_wait3A = arith.constant 0 : i32
      %dma_wait3A_38 = tpu.memref_slice %arg5[%add3A, %dma_wait3A] : memref<32x512xi32, #tpu.memory_space<hbm>> -> memref<1x512xi32, #tpu.memory_space<hbm>>
      %dma_wait3A_39 = tpu.memref_squeeze %dma_wait3A_38 : memref<1x512xi32, #tpu.memory_space<hbm>> -> memref<512xi32, #tpu.memory_space<hbm>>
      %dma_wait3A_40 = arith.constant 0 : i32
      %dma_wait3A_41 = tpu.memref_slice %arg5[%add3A, %dma_wait3A_40] : memref<32x512xi32, #tpu.memory_space<hbm>> -> memref<1x512xi32, #tpu.memory_space<hbm>>
      %dma_wait3A_42 = tpu.memref_squeeze %dma_wait3A_41 : memref<1x512xi32, #tpu.memory_space<hbm>> -> memref<512xi32, #tpu.memory_space<hbm>>
      tpu.wait_dma2 semaphore(%run_scoped3A : memref<!tpu.dma_semaphore, #tpu.memory_space<semaphore_mem>>) src(%dma_wait3A_42 : memref<512xi32, #tpu.memory_space<hbm>>) dst(%arg10 : memref<512xi32, #tpu.memory_space<vmem>>)
      tpu.yield
    }) : () -> ()
    "tpu.region"() ({
      %run_scoped3A = tpu.sem_alloc : memref<!tpu.dma_semaphore, #tpu.memory_space<semaphore_mem>>
      %dma_start3A = arith.constant 0 : i32
      %dma_start3A_33 = tpu.memref_slice %arg6[%add3A, %dma_start3A] : memref<32x512xi32, #tpu.memory_space<hbm>> -> memref<1x512xi32, #tpu.memory_space<hbm>>
      %dma_start3A_34 = tpu.memref_squeeze %dma_start3A_33 : memref<1x512xi32, #tpu.memory_space<hbm>> -> memref<512xi32, #tpu.memory_space<hbm>>
      %dma_start3A_35 = arith.constant 0 : i32
      %dma_start3A_36 = tpu.memref_slice %arg6[%add3A, %dma_start3A_35] : memref<32x512xi32, #tpu.memory_space<hbm>> -> memref<1x512xi32, #tpu.memory_space<hbm>>
      %dma_start3A_37 = tpu.memref_squeeze %dma_start3A_36 : memref<1x512xi32, #tpu.memory_space<hbm>> -> memref<512xi32, #tpu.memory_space<hbm>>
      tpu.enqueue_dma source(%dma_start3A_37 : memref<512xi32, #tpu.memory_space<hbm>>) target(%arg11 : memref<512xi32, #tpu.memory_space<vmem>>) target_semaphore(%run_scoped3A : memref<!tpu.dma_semaphore, #tpu.memory_space<semaphore_mem>>)
      %dma_wait3A = arith.constant 0 : i32
      %dma_wait3A_38 = tpu.memref_slice %arg6[%add3A, %dma_wait3A] : memref<32x512xi32, #tpu.memory_space<hbm>> -> memref<1x512xi32, #tpu.memory_space<hbm>>
      %dma_wait3A_39 = tpu.memref_squeeze %dma_wait3A_38 : memref<1x512xi32, #tpu.memory_space<hbm>> -> memref<512xi32, #tpu.memory_space<hbm>>
      %dma_wait3A_40 = arith.constant 0 : i32
      %dma_wait3A_41 = tpu.memref_slice %arg6[%add3A, %dma_wait3A_40] : memref<32x512xi32, #tpu.memory_space<hbm>> -> memref<1x512xi32, #tpu.memory_space<hbm>>
      %dma_wait3A_42 = tpu.memref_squeeze %dma_wait3A_41 : memref<1x512xi32, #tpu.memory_space<hbm>> -> memref<512xi32, #tpu.memory_space<hbm>>
      tpu.wait_dma2 semaphore(%run_scoped3A : memref<!tpu.dma_semaphore, #tpu.memory_space<semaphore_mem>>) src(%dma_wait3A_42 : memref<512xi32, #tpu.memory_space<hbm>>) dst(%arg11 : memref<512xi32, #tpu.memory_space<vmem>>)
      tpu.yield
    }) : () -> ()
    "tpu.region"() ({
      %run_scoped3A = tpu.sem_alloc : memref<!tpu.dma_semaphore, #tpu.memory_space<semaphore_mem>>
      tpu.enqueue_dma source(%arg7 : memref<32xi32, #tpu.memory_space<hbm>>) target(%arg12 : memref<32xi32, #tpu.memory_space<vmem>>) target_semaphore(%run_scoped3A : memref<!tpu.dma_semaphore, #tpu.memory_space<semaphore_mem>>)
      tpu.wait_dma2 semaphore(%run_scoped3A : memref<!tpu.dma_semaphore, #tpu.memory_space<semaphore_mem>>) src(%arg7 : memref<32xi32, #tpu.memory_space<hbm>>) dst(%arg12 : memref<32xi32, #tpu.memory_space<vmem>>)
      tpu.yield
    }) : () -> ()
    %iota3A = tpu.iota {dimensions = array<i32: 0>} : vector<16xi32>
    %add3A_3 = arith.constant 0 : i32
    %add3A_4 = vector.broadcast %add3A_3 : i32 to vector<16xi32>
    %add3A_5 = arith.addi %iota3A, %add3A_4 : vector<16xi32>
    %iota3A_6 = tpu.iota {dimensions = array<i32: 0>} : vector<16xi32>
    %add3A_7 = arith.constant 16 : i32
    %add3A_8 = vector.broadcast %add3A_7 : i32 to vector<16xi32>
    %add3A_9 = arith.addi %iota3A_6, %add3A_8 : vector<16xi32>
    %iota3A_10 = tpu.iota {dimensions = array<i32: 0>} : vector<16xi32>
    %add3A_11 = arith.constant 32 : i32
    %add3A_12 = vector.broadcast %add3A_11 : i32 to vector<16xi32>
    %add3A_13 = arith.addi %iota3A_10, %add3A_12 : vector<16xi32>
    %iota3A_14 = tpu.iota {dimensions = array<i32: 0>} : vector<16xi32>
    %add3A_15 = arith.constant 48 : i32
    %add3A_16 = vector.broadcast %add3A_15 : i32 to vector<16xi32>
    %add3A_17 = arith.addi %iota3A_14, %add3A_16 : vector<16xi32>
    %shift_right_arithmetic3A = arith.constant 4 : i32
    %shift_right_arithmetic3A_18 = arith.shrsi %add3A, %shift_right_arithmetic3A : i32
    %shift_left3A = arith.constant 4 : i32
    %shift_left3A_19 = arith.shli %shift_right_arithmetic3A_18, %shift_left3A : i32
    %get3A = arith.index_cast %shift_left3A_19 : i32 to index
    %get3A_20 = tpu.vector_load %arg12[%get3A] {strides = array<i32>} : memref<32xi32, #tpu.memory_space<vmem>>, vector<16xi32>,
    %iota3A_21 = tpu.iota {dimensions = array<i32: 0>} : vector<16xi32>
    %sub3A = arith.subi %add3A, %shift_left3A_19 : i32
    %eq3A = vector.broadcast %sub3A : i32 to vector<16xi32>
    %eq3A_22 = arith.cmpi eq, %iota3A_21, %eq3A : vector<16xi32>
    %jit3A = arith.constant 0 : i32
    %broadcast_in_dim3A = vector.broadcast %jit3A : i32 to vector<16xi32>
    %select_n3A = arith.select %eq3A_22, %get3A_20, %broadcast_in_dim3A : vector<16xi1>, vector<16xi32>
    %reduce_sum3A = arith.constant true
    %reduce_sum3A_23 = vector.broadcast %reduce_sum3A : i1 to vector<16xi1>
    %reduce_sum3A_24 = tpu.scan <sum>, %select_n3A masked %reduce_sum3A_23 : vector<16xi32>, vector<16xi1> -> vector<16xi32>
    %reduce_sum3A_25 = vector.extract %reduce_sum3A_24[15] : i32 from vector<16xi32>
    %scan3A = arith.constant 0 : i32
    %scan3A_26 = arith.constant 0 : i32
    %scan3A_27 = arith.constant 0 : i32
    %scan3A_28 = arith.constant 512 : i32
    %scan3A_29 = arith.addi %scan3A_27, %scan3A_28 : i32
    %scan3A_30 = arith.constant 1 : i32
    %scan3A_31:2 = scf.for %scan3A_33 = %scan3A_27 to %scan3A_29 step %scan3A_30 iter_args(%scan3A_34 = %scan3A, %scan3A_35 = %scan3A_26) -> (i32, i32)  : i32 {
      %mul3A_36 = arith.constant 1 : i32
      %mul3A_37 = arith.muli %scan3A_33, %mul3A_36 : i32
      %add3A_38 = arith.constant 0 : i32
      %add3A_39 = arith.addi %add3A_38, %mul3A_37 : i32
      %shift_right_arithmetic3A_40 = arith.constant 4 : i32
      %shift_right_arithmetic3A_41 = arith.shrsi %add3A_39, %shift_right_arithmetic3A_40 : i32
      %shift_left3A_42 = arith.constant 4 : i32
      %shift_left3A_43 = arith.shli %shift_right_arithmetic3A_41, %shift_left3A_42 : i32
      %get3A_44 = arith.index_cast %shift_left3A_43 : i32 to index
      %get3A_45 = tpu.vector_load %arg10[%get3A_44] {strides = array<i32>} : memref<512xi32, #tpu.memory_space<vmem>>, vector<16xi32>,
      %iota3A_46 = tpu.iota {dimensions = array<i32: 0>} : vector<16xi32>
      %sub3A_47 = arith.subi %add3A_39, %shift_left3A_43 : i32
      %eq3A_48 = vector.broadcast %sub3A_47 : i32 to vector<16xi32>
      %eq3A_49 = arith.cmpi eq, %iota3A_46, %eq3A_48 : vector<16xi32>
      %jit3A_50 = arith.constant 0 : i32
      %broadcast_in_dim3A_51 = vector.broadcast %jit3A_50 : i32 to vector<16xi32>
      %select_n3A_52 = arith.select %eq3A_49, %get3A_45, %broadcast_in_dim3A_51 : vector<16xi1>, vector<16xi32>
      %reduce_sum3A_53 = arith.constant true
      %reduce_sum3A_54 = vector.broadcast %reduce_sum3A_53 : i1 to vector<16xi1>
      %reduce_sum3A_55 = tpu.scan <sum>, %select_n3A_52 masked %reduce_sum3A_54 : vector<16xi32>, vector<16xi1> -> vector<16xi32>
      %reduce_sum3A_56 = vector.extract %reduce_sum3A_55[15] : i32 from vector<16xi32>
      %add3A_57 = arith.constant 5 : i32
      %add3A_58 = arith.addi %reduce_sum3A_56, %add3A_57 : i32
      %add3A_59 = arith.constant 1 : i32
      %add3A_60 = arith.addi %add3A_58, %add3A_59 : i32
      %min3A = arith.minsi %reduce_sum3A_25, %add3A_60 : i32
      %sub3A_61 = arith.subi %min3A, %scan3A_34 : i32
      %sub3A_62 = arith.constant 1 : i32
      %sub3A_63 = arith.constant 1 : i32
      %sub3A_64 = arith.subi %sub3A_62, %sub3A_63 : i32
      %add3A_65 = arith.addi %sub3A_61, %sub3A_64 : i32
      %div3A = arith.constant 1 : i32
      %div3A_66 = arith.divsi %add3A_65, %div3A : i32
      %while3A = arith.constant 1 : i32
      %while3A_67 = arith.constant 0 : i32
      %while3A_68 = arith.subi %div3A_66, %while3A_67 : i32
      %while3A_69 = arith.addi %while3A_67, %while3A_68 : i32
      %while3A_70 = arith.constant 1 : i32
      %while3A_71 = arith.divsi %while3A_68, %while3A_70 : i32
      %while3A_72 = arith.muli %while3A_71, %while3A_70 : i32
      %while3A_73 = arith.addi %while3A_67, %while3A_72 : i32
      %while3A_74 = arith.constant 1 : i32
      scf.for %while3A_210 = %while3A_67 to %while3A_73 step %while3A_74  : i32 {
        %mul3A_211 = arith.muli %while3A_210, %while3A : i32
        %add3A_212 = arith.addi %scan3A_34, %mul3A_211 : i32
        %jit3A_213 = arith.constant 7 : i32
        %eq3A_214 = arith.constant 0 : i32
        %eq3A_215 = arith.cmpi eq, %jit3A_213, %eq3A_214 : i32
        %jit3A_216 = arith.constant 1 : i32
        %select_n3A_217 = arith.select %eq3A_215, %jit3A_216, %jit3A_213 : i32
        %rem3A_218 = arith.remsi %add3A_212, %select_n3A_217 : i32
        %ne3A_219 = arith.constant 0 : i32
        %ne3A_220 = arith.cmpi ne, %rem3A_218, %ne3A_219 : i32
        %lt3A_221 = arith.constant 0 : i32
        %lt3A_222 = arith.cmpi slt, %rem3A_218, %lt3A_221 : i32
        %lt3A_223 = arith.constant 0 : i32
        %lt3A_224 = arith.cmpi slt, %select_n3A_217, %lt3A_223 : i32
        %ne3A_225 = arith.xori %lt3A_222, %lt3A_224 : i1
        %and3A_226 = arith.andi %ne3A_225, %ne3A_220 : i1
        %add3A_227 = arith.addi %rem3A_218, %select_n3A_217 : i32
        %select_n3A_228 = arith.select %and3A_226, %add3A_227, %rem3A_218 : i32
        %shift_right_arithmetic3A_229 = arith.constant 4 : i32
        %shift_right_arithmetic3A_230 = arith.shrsi %add3A_212, %shift_right_arithmetic3A_229 : i32
        %shift_left3A_231 = arith.constant 4 : i32
        %shift_left3A_232 = arith.shli %shift_right_arithmetic3A_230, %shift_left3A_231 : i32
        %get3A_233 = arith.index_cast %shift_left3A_232 : i32 to index
        %get3A_234 = tpu.vector_load %arg11[%get3A_233] {strides = array<i32>} : memref<512xi32, #tpu.memory_space<vmem>>, vector<16xi32>,
        %iota3A_235 = tpu.iota {dimensions = array<i32: 0>} : vector<16xi32>
        %sub3A_236 = arith.subi %add3A_212, %shift_left3A_232 : i32
        %eq3A_237 = vector.broadcast %sub3A_236 : i32 to vector<16xi32>
        %eq3A_238 = arith.cmpi eq, %iota3A_235, %eq3A_237 : vector<16xi32>
        %jit3A_239 = arith.constant 0 : i32
        %broadcast_in_dim3A_240 = vector.broadcast %jit3A_239 : i32 to vector<16xi32>
        %select_n3A_241 = arith.select %eq3A_238, %get3A_234, %broadcast_in_dim3A_240 : vector<16xi1>, vector<16xi32>
        %reduce_sum3A_242 = arith.constant true
        %reduce_sum3A_243 = vector.broadcast %reduce_sum3A_242 : i1 to vector<16xi1>
        %reduce_sum3A_244 = tpu.scan <sum>, %select_n3A_241 masked %reduce_sum3A_243 : vector<16xi32>, vector<16xi1> -> vector<16xi32>
        %reduce_sum3A_245 = vector.extract %reduce_sum3A_244[15] : i32 from vector<16xi32>
        %mul3A_246 = arith.constant 128 : i32
        %mul3A_247 = arith.muli %reduce_sum3A_245, %mul3A_246 : i32
        %multiple_of3A = tpu.assume_multiple %mul3A_247, 128 : i32
        %dma_start3A = arith.constant 0 : i32
        %dma_start3A_248 = arith.constant 0 : i32
        %dma_start3A_249 = arith.constant 0 : i32
        %dma_start3A_250 = tpu.memref_slice %arg13[%select_n3A_228, %dma_start3A, %dma_start3A_248, %dma_start3A_249] : memref<7x2x64x128xf32, #tpu.memory_space<vmem>> -> memref<1x1x64x128xf32, #tpu.memory_space<vmem>>
        %dma_start3A_251 = tpu.memref_squeeze %dma_start3A_250 : memref<1x1x64x128xf32, #tpu.memory_space<vmem>> -> memref<64x128xf32, #tpu.memory_space<vmem>>
        %dma_start3A_252 = arith.constant 0 : i32
        %dma_start3A_253 = tpu.memref_slice %arg2[%dma_start3A_252, %multiple_of3A] : memref<64x1000000xf32, #tpu.memory_space<hbm>> -> memref<64x128xf32, #tpu.memory_space<hbm>>
        %dma_start3A_254 = tpu.memref_slice %arg15[%select_n3A_228] : memref<7x!tpu.dma_semaphore, #tpu.memory_space<semaphore_mem>> -> memref<1x!tpu.dma_semaphore, #tpu.memory_space<semaphore_mem>>
        %dma_start3A_255 = tpu.memref_squeeze %dma_start3A_254 : memref<1x!tpu.dma_semaphore, #tpu.memory_space<semaphore_mem>> -> memref<!tpu.dma_semaphore, #tpu.memory_space<semaphore_mem>>
        %dma_start3A_256 = arith.constant 0 : i32
        %dma_start3A_257 = arith.constant 0 : i32
        %dma_start3A_258 = tpu.memref_slice %arg13[%select_n3A_228, %dma_start3A, %dma_start3A_256, %dma_start3A_257] : memref<7x2x64x128xf32, #tpu.memory_space<vmem>> -> memref<1x1x64x128xf32, #tpu.memory_space<vmem>>
        %dma_start3A_259 = tpu.memref_squeeze %dma_start3A_258 : memref<1x1x64x128xf32, #tpu.memory_space<vmem>> -> memref<64x128xf32, #tpu.memory_space<vmem>>
        %dma_start3A_260 = arith.constant 0 : i32
        %dma_start3A_261 = tpu.memref_slice %arg2[%dma_start3A_260, %multiple_of3A] : memref<64x1000000xf32, #tpu.memory_space<hbm>> -> memref<64x128xf32, #tpu.memory_space<hbm>>
        tpu.enqueue_dma source(%dma_start3A_261 : memref<64x128xf32, #tpu.memory_space<hbm>>) target(%dma_start3A_259 : memref<64x128xf32, #tpu.memory_space<vmem>>) target_semaphore(%dma_start3A_255 : memref<!tpu.dma_semaphore, #tpu.memory_space<semaphore_mem>>)
        %dma_start3A_262 = arith.constant 1 : i32
        %dma_start3A_263 = arith.constant 0 : i32
        %dma_start3A_264 = arith.constant 0 : i32
        %dma_start3A_265 = tpu.memref_slice %arg13[%select_n3A_228, %dma_start3A_262, %dma_start3A_263, %dma_start3A_264] : memref<7x2x64x128xf32, #tpu.memory_space<vmem>> -> memref<1x1x64x128xf32, #tpu.memory_space<vmem>>
        %dma_start3A_266 = tpu.memref_squeeze %dma_start3A_265 : memref<1x1x64x128xf32, #tpu.memory_space<vmem>> -> memref<64x128xf32, #tpu.memory_space<vmem>>
        %dma_start3A_267 = arith.constant 0 : i32
        %dma_start3A_268 = tpu.memref_slice %arg3[%dma_start3A_267, %multiple_of3A] : memref<64x1000000xf32, #tpu.memory_space<hbm>> -> memref<64x128xf32, #tpu.memory_space<hbm>>
        %dma_start3A_269 = tpu.memref_slice %arg15[%select_n3A_228] : memref<7x!tpu.dma_semaphore, #tpu.memory_space<semaphore_mem>> -> memref<1x!tpu.dma_semaphore, #tpu.memory_space<semaphore_mem>>
        %dma_start3A_270 = tpu.memref_squeeze %dma_start3A_269 : memref<1x!tpu.dma_semaphore, #tpu.memory_space<semaphore_mem>> -> memref<!tpu.dma_semaphore, #tpu.memory_space<semaphore_mem>>
        %dma_start3A_271 = arith.constant 0 : i32
        %dma_start3A_272 = arith.constant 0 : i32
        %dma_start3A_273 = tpu.memref_slice %arg13[%select_n3A_228, %dma_start3A_262, %dma_start3A_271, %dma_start3A_272] : memref<7x2x64x128xf32, #tpu.memory_space<vmem>> -> memref<1x1x64x128xf32, #tpu.memory_space<vmem>>
        %dma_start3A_274 = tpu.memref_squeeze %dma_start3A_273 : memref<1x1x64x128xf32, #tpu.memory_space<vmem>> -> memref<64x128xf32, #tpu.memory_space<vmem>>
        %dma_start3A_275 = arith.constant 0 : i32
        %dma_start3A_276 = tpu.memref_slice %arg3[%dma_start3A_275, %multiple_of3A] : memref<64x1000000xf32, #tpu.memory_space<hbm>> -> memref<64x128xf32, #tpu.memory_space<hbm>>
        tpu.enqueue_dma source(%dma_start3A_276 : memref<64x128xf32, #tpu.memory_space<hbm>>) target(%dma_start3A_274 : memref<64x128xf32, #tpu.memory_space<vmem>>) target_semaphore(%dma_start3A_270 : memref<!tpu.dma_semaphore, #tpu.memory_space<semaphore_mem>>)
      }
      %while3A_75 = arith.constant 1 : i32
      scf.for %while3A_210 = %while3A_73 to %while3A_69 step %while3A_75  : i32 {
        %mul3A_211 = arith.muli %while3A_210, %while3A : i32
        %add3A_212 = arith.addi %scan3A_34, %mul3A_211 : i32
        %jit3A_213 = arith.constant 7 : i32
        %eq3A_214 = arith.constant 0 : i32
        %eq3A_215 = arith.cmpi eq, %jit3A_213, %eq3A_214 : i32
        %jit3A_216 = arith.constant 1 : i32
        %select_n3A_217 = arith.select %eq3A_215, %jit3A_216, %jit3A_213 : i32
        %rem3A_218 = arith.remsi %add3A_212, %select_n3A_217 : i32
        %ne3A_219 = arith.constant 0 : i32
        %ne3A_220 = arith.cmpi ne, %rem3A_218, %ne3A_219 : i32
        %lt3A_221 = arith.constant 0 : i32
        %lt3A_222 = arith.cmpi slt, %rem3A_218, %lt3A_221 : i32
        %lt3A_223 = arith.constant 0 : i32
        %lt3A_224 = arith.cmpi slt, %select_n3A_217, %lt3A_223 : i32
        %ne3A_225 = arith.xori %lt3A_222, %lt3A_224 : i1
        %and3A_226 = arith.andi %ne3A_225, %ne3A_220 : i1
        %add3A_227 = arith.addi %rem3A_218, %select_n3A_217 : i32
        %select_n3A_228 = arith.select %and3A_226, %add3A_227, %rem3A_218 : i32
        %shift_right_arithmetic3A_229 = arith.constant 4 : i32
        %shift_right_arithmetic3A_230 = arith.shrsi %add3A_212, %shift_right_arithmetic3A_229 : i32
        %shift_left3A_231 = arith.constant 4 : i32
        %shift_left3A_232 = arith.shli %shift_right_arithmetic3A_230, %shift_left3A_231 : i32
        %get3A_233 = arith.index_cast %shift_left3A_232 : i32 to index
        %get3A_234 = tpu.vector_load %arg11[%get3A_233] {strides = array<i32>} : memref<512xi32, #tpu.memory_space<vmem>>, vector<16xi32>,
        %iota3A_235 = tpu.iota {dimensions = array<i32: 0>} : vector<16xi32>
        %sub3A_236 = arith.subi %add3A_212, %shift_left3A_232 : i32
        %eq3A_237 = vector.broadcast %sub3A_236 : i32 to vector<16xi32>
        %eq3A_238 = arith.cmpi eq, %iota3A_235, %eq3A_237 : vector<16xi32>
        %jit3A_239 = arith.constant 0 : i32
        %broadcast_in_dim3A_240 = vector.broadcast %jit3A_239 : i32 to vector<16xi32>
        %select_n3A_241 = arith.select %eq3A_238, %get3A_234, %broadcast_in_dim3A_240 : vector<16xi1>, vector<16xi32>
        %reduce_sum3A_242 = arith.constant true
        %reduce_sum3A_243 = vector.broadcast %reduce_sum3A_242 : i1 to vector<16xi1>
        %reduce_sum3A_244 = tpu.scan <sum>, %select_n3A_241 masked %reduce_sum3A_243 : vector<16xi32>, vector<16xi1> -> vector<16xi32>
        %reduce_sum3A_245 = vector.extract %reduce_sum3A_244[15] : i32 from vector<16xi32>
        %mul3A_246 = arith.constant 128 : i32
        %mul3A_247 = arith.muli %reduce_sum3A_245, %mul3A_246 : i32
        %multiple_of3A = tpu.assume_multiple %mul3A_247, 128 : i32
        %dma_start3A = arith.constant 0 : i32
        %dma_start3A_248 = arith.constant 0 : i32
        %dma_start3A_249 = arith.constant 0 : i32
        %dma_start3A_250 = tpu.memref_slice %arg13[%select_n3A_228, %dma_start3A, %dma_start3A_248, %dma_start3A_249] : memref<7x2x64x128xf32, #tpu.memory_space<vmem>> -> memref<1x1x64x128xf32, #tpu.memory_space<vmem>>
        %dma_start3A_251 = tpu.memref_squeeze %dma_start3A_250 : memref<1x1x64x128xf32, #tpu.memory_space<vmem>> -> memref<64x128xf32, #tpu.memory_space<vmem>>
        %dma_start3A_252 = arith.constant 0 : i32
        %dma_start3A_253 = tpu.memref_slice %arg2[%dma_start3A_252, %multiple_of3A] : memref<64x1000000xf32, #tpu.memory_space<hbm>> -> memref<64x128xf32, #tpu.memory_space<hbm>>
        %dma_start3A_254 = tpu.memref_slice %arg15[%select_n3A_228] : memref<7x!tpu.dma_semaphore, #tpu.memory_space<semaphore_mem>> -> memref<1x!tpu.dma_semaphore, #tpu.memory_space<semaphore_mem>>
        %dma_start3A_255 = tpu.memref_squeeze %dma_start3A_254 : memref<1x!tpu.dma_semaphore, #tpu.memory_space<semaphore_mem>> -> memref<!tpu.dma_semaphore, #tpu.memory_space<semaphore_mem>>
        %dma_start3A_256 = arith.constant 0 : i32
        %dma_start3A_257 = arith.constant 0 : i32
        %dma_start3A_258 = tpu.memref_slice %arg13[%select_n3A_228, %dma_start3A, %dma_start3A_256, %dma_start3A_257] : memref<7x2x64x128xf32, #tpu.memory_space<vmem>> -> memref<1x1x64x128xf32, #tpu.memory_space<vmem>>
        %dma_start3A_259 = tpu.memref_squeeze %dma_start3A_258 : memref<1x1x64x128xf32, #tpu.memory_space<vmem>> -> memref<64x128xf32, #tpu.memory_space<vmem>>
        %dma_start3A_260 = arith.constant 0 : i32
        %dma_start3A_261 = tpu.memref_slice %arg2[%dma_start3A_260, %multiple_of3A] : memref<64x1000000xf32, #tpu.memory_space<hbm>> -> memref<64x128xf32, #tpu.memory_space<hbm>>
        tpu.enqueue_dma source(%dma_start3A_261 : memref<64x128xf32, #tpu.memory_space<hbm>>) target(%dma_start3A_259 : memref<64x128xf32, #tpu.memory_space<vmem>>) target_semaphore(%dma_start3A_255 : memref<!tpu.dma_semaphore, #tpu.memory_space<semaphore_mem>>)
        %dma_start3A_262 = arith.constant 1 : i32
        %dma_start3A_263 = arith.constant 0 : i32
        %dma_start3A_264 = arith.constant 0 : i32
        %dma_start3A_265 = tpu.memref_slice %arg13[%select_n3A_228, %dma_start3A_262, %dma_start3A_263, %dma_start3A_264] : memref<7x2x64x128xf32, #tpu.memory_space<vmem>> -> memref<1x1x64x128xf32, #tpu.memory_space<vmem>>
        %dma_start3A_266 = tpu.memref_squeeze %dma_start3A_265 : memref<1x1x64x128xf32, #tpu.memory_space<vmem>> -> memref<64x128xf32, #tpu.memory_space<vmem>>
        %dma_start3A_267 = arith.constant 0 : i32
        %dma_start3A_268 = tpu.memref_slice %arg3[%dma_start3A_267, %multiple_of3A] : memref<64x1000000xf32, #tpu.memory_space<hbm>> -> memref<64x128xf32, #tpu.memory_space<hbm>>
        %dma_start3A_269 = tpu.memref_slice %arg15[%select_n3A_228] : memref<7x!tpu.dma_semaphore, #tpu.memory_space<semaphore_mem>> -> memref<1x!tpu.dma_semaphore, #tpu.memory_space<semaphore_mem>>
        %dma_start3A_270 = tpu.memref_squeeze %dma_start3A_269 : memref<1x!tpu.dma_semaphore, #tpu.memory_space<semaphore_mem>> -> memref<!tpu.dma_semaphore, #tpu.memory_space<semaphore_mem>>
        %dma_start3A_271 = arith.constant 0 : i32
        %dma_start3A_272 = arith.constant 0 : i32
        %dma_start3A_273 = tpu.memref_slice %arg13[%select_n3A_228, %dma_start3A_262, %dma_start3A_271, %dma_start3A_272] : memref<7x2x64x128xf32, #tpu.memory_space<vmem>> -> memref<1x1x64x128xf32, #tpu.memory_space<vmem>>
        %dma_start3A_274 = tpu.memref_squeeze %dma_start3A_273 : memref<1x1x64x128xf32, #tpu.memory_space<vmem>> -> memref<64x128xf32, #tpu.memory_space<vmem>>
        %dma_start3A_275 = arith.constant 0 : i32
        %dma_start3A_276 = tpu.memref_slice %arg3[%dma_start3A_275, %multiple_of3A] : memref<64x1000000xf32, #tpu.memory_space<hbm>> -> memref<64x128xf32, #tpu.memory_space<hbm>>
        tpu.enqueue_dma source(%dma_start3A_276 : memref<64x128xf32, #tpu.memory_space<hbm>>) target(%dma_start3A_274 : memref<64x128xf32, #tpu.memory_space<vmem>>) target_semaphore(%dma_start3A_270 : memref<!tpu.dma_semaphore, #tpu.memory_space<semaphore_mem>>)
      }
      %add3A_76 = arith.constant 1 : i32
      %add3A_77 = arith.addi %reduce_sum3A_56, %add3A_76 : i32
      %sub3A_78 = arith.subi %add3A_77, %scan3A_35 : i32
      %sub3A_79 = arith.constant 1 : i32
      %sub3A_80 = arith.constant 1 : i32
      %sub3A_81 = arith.subi %sub3A_79, %sub3A_80 : i32
      %add3A_82 = arith.addi %sub3A_78, %sub3A_81 : i32
      %div3A_83 = arith.constant 1 : i32
      %div3A_84 = arith.divsi %add3A_82, %div3A_83 : i32
      %while3A_85 = arith.constant 1 : i32
      %while3A_86 = arith.constant 0 : i32
      %while3A_87 = arith.subi %div3A_84, %while3A_86 : i32
      %while3A_88 = arith.addi %while3A_86, %while3A_87 : i32
      %while3A_89 = arith.constant 1 : i32
      %while3A_90 = arith.divsi %while3A_87, %while3A_89 : i32
      %while3A_91 = arith.muli %while3A_90, %while3A_89 : i32
      %while3A_92 = arith.addi %while3A_86, %while3A_91 : i32
      %while3A_93 = arith.constant 1 : i32
      scf.for %while3A_210 = %while3A_86 to %while3A_92 step %while3A_93  : i32 {
        %mul3A_211 = arith.muli %while3A_210, %while3A_85 : i32
        %add3A_212 = arith.addi %scan3A_35, %mul3A_211 : i32
        %jit3A_213 = arith.constant 7 : i32
        %eq3A_214 = arith.constant 0 : i32
        %eq3A_215 = arith.cmpi eq, %jit3A_213, %eq3A_214 : i32
        %jit3A_216 = arith.constant 1 : i32
        %select_n3A_217 = arith.select %eq3A_215, %jit3A_216, %jit3A_213 : i32
        %rem3A_218 = arith.remsi %add3A_212, %select_n3A_217 : i32
        %ne3A_219 = arith.constant 0 : i32
        %ne3A_220 = arith.cmpi ne, %rem3A_218, %ne3A_219 : i32
        %lt3A_221 = arith.constant 0 : i32
        %lt3A_222 = arith.cmpi slt, %rem3A_218, %lt3A_221 : i32
        %lt3A_223 = arith.constant 0 : i32
        %lt3A_224 = arith.cmpi slt, %select_n3A_217, %lt3A_223 : i32
        %ne3A_225 = arith.xori %lt3A_222, %lt3A_224 : i1
        %and3A_226 = arith.andi %ne3A_225, %ne3A_220 : i1
        %add3A_227 = arith.addi %rem3A_218, %select_n3A_217 : i32
        %select_n3A_228 = arith.select %and3A_226, %add3A_227, %rem3A_218 : i32
        %dma_wait3A = arith.constant 0 : i32
        %dma_wait3A_229 = arith.constant 0 : i32
        %dma_wait3A_230 = arith.constant 0 : i32
        %dma_wait3A_231 = tpu.memref_slice %arg13[%select_n3A_228, %dma_wait3A, %dma_wait3A_229, %dma_wait3A_230] : memref<7x2x64x128xf32, #tpu.memory_space<vmem>> -> memref<1x1x64x128xf32, #tpu.memory_space<vmem>>
        %dma_wait3A_232 = tpu.memref_squeeze %dma_wait3A_231 : memref<1x1x64x128xf32, #tpu.memory_space<vmem>> -> memref<64x128xf32, #tpu.memory_space<vmem>>
        %dma_wait3A_233 = arith.constant 0 : i32
        %dma_wait3A_234 = arith.constant 0 : i32
        %dma_wait3A_235 = tpu.memref_slice %arg2[%dma_wait3A_233, %dma_wait3A_234] : memref<64x1000000xf32, #tpu.memory_space<hbm>> -> memref<64x128xf32, #tpu.memory_space<hbm>>
        %dma_wait3A_236 = tpu.memref_slice %arg15[%select_n3A_228] : memref<7x!tpu.dma_semaphore, #tpu.memory_space<semaphore_mem>> -> memref<1x!tpu.dma_semaphore, #tpu.memory_space<semaphore_mem>>
        %dma_wait3A_237 = tpu.memref_squeeze %dma_wait3A_236 : memref<1x!tpu.dma_semaphore, #tpu.memory_space<semaphore_mem>> -> memref<!tpu.dma_semaphore, #tpu.memory_space<semaphore_mem>>
        %dma_wait3A_238 = arith.constant 0 : i32
        %dma_wait3A_239 = arith.constant 0 : i32
        %dma_wait3A_240 = tpu.memref_slice %arg13[%select_n3A_228, %dma_wait3A, %dma_wait3A_238, %dma_wait3A_239] : memref<7x2x64x128xf32, #tpu.memory_space<vmem>> -> memref<1x1x64x128xf32, #tpu.memory_space<vmem>>
        %dma_wait3A_241 = tpu.memref_squeeze %dma_wait3A_240 : memref<1x1x64x128xf32, #tpu.memory_space<vmem>> -> memref<64x128xf32, #tpu.memory_space<vmem>>
        %dma_wait3A_242 = arith.constant 0 : i32
        %dma_wait3A_243 = arith.constant 0 : i32
        %dma_wait3A_244 = tpu.memref_slice %arg2[%dma_wait3A_242, %dma_wait3A_243] : memref<64x1000000xf32, #tpu.memory_space<hbm>> -> memref<64x128xf32, #tpu.memory_space<hbm>>
        tpu.wait_dma2 semaphore(%dma_wait3A_237 : memref<!tpu.dma_semaphore, #tpu.memory_space<semaphore_mem>>) src(%dma_wait3A_244 : memref<64x128xf32, #tpu.memory_space<hbm>>) dst(%dma_wait3A_241 : memref<64x128xf32, #tpu.memory_space<vmem>>)
        %dma_wait3A_245 = arith.constant 0 : i32
        %dma_wait3A_246 = arith.constant 0 : i32
        %dma_wait3A_247 = arith.constant 0 : i32
        %dma_wait3A_248 = tpu.memref_slice %arg13[%select_n3A_228, %dma_wait3A_245, %dma_wait3A_246, %dma_wait3A_247] : memref<7x2x64x128xf32, #tpu.memory_space<vmem>> -> memref<1x1x64x128xf32, #tpu.memory_space<vmem>>
        %dma_wait3A_249 = tpu.memref_squeeze %dma_wait3A_248 : memref<1x1x64x128xf32, #tpu.memory_space<vmem>> -> memref<64x128xf32, #tpu.memory_space<vmem>>
        %dma_wait3A_250 = arith.constant 0 : i32
        %dma_wait3A_251 = arith.constant 0 : i32
        %dma_wait3A_252 = tpu.memref_slice %arg2[%dma_wait3A_250, %dma_wait3A_251] : memref<64x1000000xf32, #tpu.memory_space<hbm>> -> memref<64x128xf32, #tpu.memory_space<hbm>>
        %dma_wait3A_253 = tpu.memref_slice %arg15[%select_n3A_228] : memref<7x!tpu.dma_semaphore, #tpu.memory_space<semaphore_mem>> -> memref<1x!tpu.dma_semaphore, #tpu.memory_space<semaphore_mem>>
        %dma_wait3A_254 = tpu.memref_squeeze %dma_wait3A_253 : memref<1x!tpu.dma_semaphore, #tpu.memory_space<semaphore_mem>> -> memref<!tpu.dma_semaphore, #tpu.memory_space<semaphore_mem>>
        %dma_wait3A_255 = arith.constant 0 : i32
        %dma_wait3A_256 = arith.constant 0 : i32
        %dma_wait3A_257 = tpu.memref_slice %arg13[%select_n3A_228, %dma_wait3A_245, %dma_wait3A_255, %dma_wait3A_256] : memref<7x2x64x128xf32, #tpu.memory_space<vmem>> -> memref<1x1x64x128xf32, #tpu.memory_space<vmem>>
        %dma_wait3A_258 = tpu.memref_squeeze %dma_wait3A_257 : memref<1x1x64x128xf32, #tpu.memory_space<vmem>> -> memref<64x128xf32, #tpu.memory_space<vmem>>
        %dma_wait3A_259 = arith.constant 0 : i32
        %dma_wait3A_260 = arith.constant 0 : i32
        %dma_wait3A_261 = tpu.memref_slice %arg2[%dma_wait3A_259, %dma_wait3A_260] : memref<64x1000000xf32, #tpu.memory_space<hbm>> -> memref<64x128xf32, #tpu.memory_space<hbm>>
        tpu.wait_dma2 semaphore(%dma_wait3A_254 : memref<!tpu.dma_semaphore, #tpu.memory_space<semaphore_mem>>) src(%dma_wait3A_261 : memref<64x128xf32, #tpu.memory_space<hbm>>) dst(%dma_wait3A_258 : memref<64x128xf32, #tpu.memory_space<vmem>>)
      }
      %while3A_94 = arith.constant 1 : i32
      scf.for %while3A_210 = %while3A_92 to %while3A_88 step %while3A_94  : i32 {
        %mul3A_211 = arith.muli %while3A_210, %while3A_85 : i32
        %add3A_212 = arith.addi %scan3A_35, %mul3A_211 : i32
        %jit3A_213 = arith.constant 7 : i32
        %eq3A_214 = arith.constant 0 : i32
        %eq3A_215 = arith.cmpi eq, %jit3A_213, %eq3A_214 : i32
        %jit3A_216 = arith.constant 1 : i32
        %select_n3A_217 = arith.select %eq3A_215, %jit3A_216, %jit3A_213 : i32
        %rem3A_218 = arith.remsi %add3A_212, %select_n3A_217 : i32
        %ne3A_219 = arith.constant 0 : i32
        %ne3A_220 = arith.cmpi ne, %rem3A_218, %ne3A_219 : i32
        %lt3A_221 = arith.constant 0 : i32
        %lt3A_222 = arith.cmpi slt, %rem3A_218, %lt3A_221 : i32
        %lt3A_223 = arith.constant 0 : i32
        %lt3A_224 = arith.cmpi slt, %select_n3A_217, %lt3A_223 : i32
        %ne3A_225 = arith.xori %lt3A_222, %lt3A_224 : i1
        %and3A_226 = arith.andi %ne3A_225, %ne3A_220 : i1
        %add3A_227 = arith.addi %rem3A_218, %select_n3A_217 : i32
        %select_n3A_228 = arith.select %and3A_226, %add3A_227, %rem3A_218 : i32
        %dma_wait3A = arith.constant 0 : i32
        %dma_wait3A_229 = arith.constant 0 : i32
        %dma_wait3A_230 = arith.constant 0 : i32
        %dma_wait3A_231 = tpu.memref_slice %arg13[%select_n3A_228, %dma_wait3A, %dma_wait3A_229, %dma_wait3A_230] : memref<7x2x64x128xf32, #tpu.memory_space<vmem>> -> memref<1x1x64x128xf32, #tpu.memory_space<vmem>>
        %dma_wait3A_232 = tpu.memref_squeeze %dma_wait3A_231 : memref<1x1x64x128xf32, #tpu.memory_space<vmem>> -> memref<64x128xf32, #tpu.memory_space<vmem>>
        %dma_wait3A_233 = arith.constant 0 : i32
        %dma_wait3A_234 = arith.constant 0 : i32
        %dma_wait3A_235 = tpu.memref_slice %arg2[%dma_wait3A_233, %dma_wait3A_234] : memref<64x1000000xf32, #tpu.memory_space<hbm>> -> memref<64x128xf32, #tpu.memory_space<hbm>>
        %dma_wait3A_236 = tpu.memref_slice %arg15[%select_n3A_228] : memref<7x!tpu.dma_semaphore, #tpu.memory_space<semaphore_mem>> -> memref<1x!tpu.dma_semaphore, #tpu.memory_space<semaphore_mem>>
        %dma_wait3A_237 = tpu.memref_squeeze %dma_wait3A_236 : memref<1x!tpu.dma_semaphore, #tpu.memory_space<semaphore_mem>> -> memref<!tpu.dma_semaphore, #tpu.memory_space<semaphore_mem>>
        %dma_wait3A_238 = arith.constant 0 : i32
        %dma_wait3A_239 = arith.constant 0 : i32
        %dma_wait3A_240 = tpu.memref_slice %arg13[%select_n3A_228, %dma_wait3A, %dma_wait3A_238, %dma_wait3A_239] : memref<7x2x64x128xf32, #tpu.memory_space<vmem>> -> memref<1x1x64x128xf32, #tpu.memory_space<vmem>>
        %dma_wait3A_241 = tpu.memref_squeeze %dma_wait3A_240 : memref<1x1x64x128xf32, #tpu.memory_space<vmem>> -> memref<64x128xf32, #tpu.memory_space<vmem>>
        %dma_wait3A_242 = arith.constant 0 : i32
        %dma_wait3A_243 = arith.constant 0 : i32
        %dma_wait3A_244 = tpu.memref_slice %arg2[%dma_wait3A_242, %dma_wait3A_243] : memref<64x1000000xf32, #tpu.memory_space<hbm>> -> memref<64x128xf32, #tpu.memory_space<hbm>>
        tpu.wait_dma2 semaphore(%dma_wait3A_237 : memref<!tpu.dma_semaphore, #tpu.memory_space<semaphore_mem>>) src(%dma_wait3A_244 : memref<64x128xf32, #tpu.memory_space<hbm>>) dst(%dma_wait3A_241 : memref<64x128xf32, #tpu.memory_space<vmem>>)
        %dma_wait3A_245 = arith.constant 0 : i32
        %dma_wait3A_246 = arith.constant 0 : i32
        %dma_wait3A_247 = arith.constant 0 : i32
        %dma_wait3A_248 = tpu.memref_slice %arg13[%select_n3A_228, %dma_wait3A_245, %dma_wait3A_246, %dma_wait3A_247] : memref<7x2x64x128xf32, #tpu.memory_space<vmem>> -> memref<1x1x64x128xf32, #tpu.memory_space<vmem>>
        %dma_wait3A_249 = tpu.memref_squeeze %dma_wait3A_248 : memref<1x1x64x128xf32, #tpu.memory_space<vmem>> -> memref<64x128xf32, #tpu.memory_space<vmem>>
        %dma_wait3A_250 = arith.constant 0 : i32
        %dma_wait3A_251 = arith.constant 0 : i32
        %dma_wait3A_252 = tpu.memref_slice %arg2[%dma_wait3A_250, %dma_wait3A_251] : memref<64x1000000xf32, #tpu.memory_space<hbm>> -> memref<64x128xf32, #tpu.memory_space<hbm>>
        %dma_wait3A_253 = tpu.memref_slice %arg15[%select_n3A_228] : memref<7x!tpu.dma_semaphore, #tpu.memory_space<semaphore_mem>> -> memref<1x!tpu.dma_semaphore, #tpu.memory_space<semaphore_mem>>
        %dma_wait3A_254 = tpu.memref_squeeze %dma_wait3A_253 : memref<1x!tpu.dma_semaphore, #tpu.memory_space<semaphore_mem>> -> memref<!tpu.dma_semaphore, #tpu.memory_space<semaphore_mem>>
        %dma_wait3A_255 = arith.constant 0 : i32
        %dma_wait3A_256 = arith.constant 0 : i32
        %dma_wait3A_257 = tpu.memref_slice %arg13[%select_n3A_228, %dma_wait3A_245, %dma_wait3A_255, %dma_wait3A_256] : memref<7x2x64x128xf32, #tpu.memory_space<vmem>> -> memref<1x1x64x128xf32, #tpu.memory_space<vmem>>
        %dma_wait3A_258 = tpu.memref_squeeze %dma_wait3A_257 : memref<1x1x64x128xf32, #tpu.memory_space<vmem>> -> memref<64x128xf32, #tpu.memory_space<vmem>>
        %dma_wait3A_259 = arith.constant 0 : i32
        %dma_wait3A_260 = arith.constant 0 : i32
        %dma_wait3A_261 = tpu.memref_slice %arg2[%dma_wait3A_259, %dma_wait3A_260] : memref<64x1000000xf32, #tpu.memory_space<hbm>> -> memref<64x128xf32, #tpu.memory_space<hbm>>
        tpu.wait_dma2 semaphore(%dma_wait3A_254 : memref<!tpu.dma_semaphore, #tpu.memory_space<semaphore_mem>>) src(%dma_wait3A_261 : memref<64x128xf32, #tpu.memory_space<hbm>>) dst(%dma_wait3A_258 : memref<64x128xf32, #tpu.memory_space<vmem>>)
      }
      %jit3A_95 = arith.constant 7 : i32
      %eq3A_96 = arith.constant 0 : i32
      %eq3A_97 = arith.cmpi eq, %jit3A_95, %eq3A_96 : i32
      %jit3A_98 = arith.constant 1 : i32
      %select_n3A_99 = arith.select %eq3A_97, %jit3A_98, %jit3A_95 : i32
      %rem3A = arith.remsi %reduce_sum3A_56, %select_n3A_99 : i32
      %ne3A = arith.constant 0 : i32
      %ne3A_100 = arith.cmpi ne, %rem3A, %ne3A : i32
      %lt3A = arith.constant 0 : i32
      %lt3A_101 = arith.cmpi slt, %rem3A, %lt3A : i32
      %lt3A_102 = arith.constant 0 : i32
      %lt3A_103 = arith.cmpi slt, %select_n3A_99, %lt3A_102 : i32
      %ne3A_104 = arith.xori %lt3A_101, %lt3A_103 : i1
      %and3A = arith.andi %ne3A_104, %ne3A_100 : i1
      %add3A_105 = arith.addi %rem3A, %select_n3A_99 : i32
      %select_n3A_106 = arith.select %and3A, %add3A_105, %rem3A : i32
      %shift_right_arithmetic3A_107 = arith.constant 4 : i32
      %shift_right_arithmetic3A_108 = arith.shrsi %add3A_39, %shift_right_arithmetic3A_107 : i32
      %shift_left3A_109 = arith.constant 4 : i32
      %shift_left3A_110 = arith.shli %shift_right_arithmetic3A_108, %shift_left3A_109 : i32
      %get3A_111 = arith.index_cast %shift_left3A_110 : i32 to index
      %get3A_112 = tpu.vector_load %arg9[%get3A_111] {strides = array<i32>} : memref<512xi32, #tpu.memory_space<vmem>>, vector<16xi32>,
      %iota3A_113 = tpu.iota {dimensions = array<i32: 0>} : vector<16xi32>
      %sub3A_114 = arith.subi %add3A_39, %shift_left3A_110 : i32
      %eq3A_115 = vector.broadcast %sub3A_114 : i32 to vector<16xi32>
      %eq3A_116 = arith.cmpi eq, %iota3A_113, %eq3A_115 : vector<16xi32>
      %jit3A_117 = arith.constant 0 : i32
      %broadcast_in_dim3A_118 = vector.broadcast %jit3A_117 : i32 to vector<16xi32>
      %select_n3A_119 = arith.select %eq3A_116, %get3A_112, %broadcast_in_dim3A_118 : vector<16xi1>, vector<16xi32>
      %reduce_sum3A_120 = arith.constant true
      %reduce_sum3A_121 = vector.broadcast %reduce_sum3A_120 : i1 to vector<16xi1>
      %reduce_sum3A_122 = tpu.scan <sum>, %select_n3A_119 masked %reduce_sum3A_121 : vector<16xi32>, vector<16xi1> -> vector<16xi32>
      %reduce_sum3A_123 = vector.extract %reduce_sum3A_122[15] : i32 from vector<16xi32>
      %broadcast_in_dim3A_124 = arith.constant 0 : i32
      %broadcast_in_dim3A_125 = vector.broadcast %broadcast_in_dim3A_124 : i32 to vector<16xi32>
      %and3A_126 = arith.constant 127 : i32
      %and3A_127 = arith.andi %reduce_sum3A_123, %and3A_126 : i32
      %add3A_128 = vector.broadcast %and3A_127 : i32 to vector<16xi32>
      %add3A_129 = arith.addi %broadcast_in_dim3A_125, %add3A_128 : vector<16xi32>
      %and3A_130 = arith.constant 63 : i32
      %and3A_131 = arith.andi %add3A_39, %and3A_130 : i32
      %gather3A = arith.constant 0 : i32
      %gather3A_132 = arith.constant 0 : i32
      %gather3A_133 = arith.constant 0 : i32
      %gather3A_134 = tpu.memref_slice %arg13[%select_n3A_106, %gather3A, %gather3A_132, %gather3A_133] : memref<7x2x64x128xf32, #tpu.memory_space<vmem>> -> memref<1x1x64x128xf32, #tpu.memory_space<vmem>>
      %gather3A_135 = tpu.memref_squeeze %gather3A_134 : memref<1x1x64x128xf32, #tpu.memory_space<vmem>> -> memref<64x128xf32, #tpu.memory_space<vmem>>
      %gather3A_136 = tpu.vector_load_idx %gather3A_135[%add3A_5, %add3A_129] : memref<64x128xf32, #tpu.memory_space<vmem>>[vector<16xi32>, vector<16xi32>], vector<16xf32>,
      %swap3A = arith.index_cast %and3A_131 : i32 to index
      %swap3A_137 = arith.constant 0 : index
      %swap3A_138 = tpu.vector_load %arg14[%swap3A, %swap3A_137] {strides = array<i32>} : memref<64x128xf32, #tpu.memory_space<vmem>>, vector<16xf32>,
      tpu.vector_store %arg14[%swap3A, %swap3A_137], %gather3A_136 {strides = array<i32>} : memref<64x128xf32, #tpu.memory_space<vmem>>, vector<16xf32>,
      %gather3A_139 = arith.constant 0 : i32
      %gather3A_140 = arith.constant 0 : i32
      %gather3A_141 = arith.constant 0 : i32
      %gather3A_142 = tpu.memref_slice %arg13[%select_n3A_106, %gather3A_139, %gather3A_140, %gather3A_141] : memref<7x2x64x128xf32, #tpu.memory_space<vmem>> -> memref<1x1x64x128xf32, #tpu.memory_space<vmem>>
      %gather3A_143 = tpu.memref_squeeze %gather3A_142 : memref<1x1x64x128xf32, #tpu.memory_space<vmem>> -> memref<64x128xf32, #tpu.memory_space<vmem>>
      %gather3A_144 = tpu.vector_load_idx %gather3A_143[%add3A_9, %add3A_129] : memref<64x128xf32, #tpu.memory_space<vmem>>[vector<16xi32>, vector<16xi32>], vector<16xf32>,
      %swap3A_145 = arith.index_cast %and3A_131 : i32 to index
      %swap3A_146 = arith.constant 16 : index
      %swap3A_147 = tpu.vector_load %arg14[%swap3A_145, %swap3A_146] {strides = array<i32>} : memref<64x128xf32, #tpu.memory_space<vmem>>, vector<16xf32>,
      tpu.vector_store %arg14[%swap3A_145, %swap3A_146], %gather3A_144 {strides = array<i32>} : memref<64x128xf32, #tpu.memory_space<vmem>>, vector<16xf32>,
      %gather3A_148 = arith.constant 0 : i32
      %gather3A_149 = arith.constant 0 : i32
      %gather3A_150 = arith.constant 0 : i32
      %gather3A_151 = tpu.memref_slice %arg13[%select_n3A_106, %gather3A_148, %gather3A_149, %gather3A_150] : memref<7x2x64x128xf32, #tpu.memory_space<vmem>> -> memref<1x1x64x128xf32, #tpu.memory_space<vmem>>
      %gather3A_152 = tpu.memref_squeeze %gather3A_151 : memref<1x1x64x128xf32, #tpu.memory_space<vmem>> -> memref<64x128xf32, #tpu.memory_space<vmem>>
      %gather3A_153 = tpu.vector_load_idx %gather3A_152[%add3A_13, %add3A_129] : memref<64x128xf32, #tpu.memory_space<vmem>>[vector<16xi32>, vector<16xi32>], vector<16xf32>,
      %swap3A_154 = arith.index_cast %and3A_131 : i32 to index
      %swap3A_155 = arith.constant 32 : index
      %swap3A_156 = tpu.vector_load %arg14[%swap3A_154, %swap3A_155] {strides = array<i32>} : memref<64x128xf32, #tpu.memory_space<vmem>>, vector<16xf32>,
      tpu.vector_store %arg14[%swap3A_154, %swap3A_155], %gather3A_153 {strides = array<i32>} : memref<64x128xf32, #tpu.memory_space<vmem>>, vector<16xf32>,
      %gather3A_157 = arith.constant 0 : i32
      %gather3A_158 = arith.constant 0 : i32
      %gather3A_159 = arith.constant 0 : i32
      %gather3A_160 = tpu.memref_slice %arg13[%select_n3A_106, %gather3A_157, %gather3A_158, %gather3A_159] : memref<7x2x64x128xf32, #tpu.memory_space<vmem>> -> memref<1x1x64x128xf32, #tpu.memory_space<vmem>>
      %gather3A_161 = tpu.memref_squeeze %gather3A_160 : memref<1x1x64x128xf32, #tpu.memory_space<vmem>> -> memref<64x128xf32, #tpu.memory_space<vmem>>
      %gather3A_162 = tpu.vector_load_idx %gather3A_161[%add3A_17, %add3A_129] : memref<64x128xf32, #tpu.memory_space<vmem>>[vector<16xi32>, vector<16xi32>], vector<16xf32>,
      %swap3A_163 = arith.index_cast %and3A_131 : i32 to index
      %swap3A_164 = arith.constant 48 : index
      %swap3A_165 = tpu.vector_load %arg14[%swap3A_163, %swap3A_164] {strides = array<i32>} : memref<64x128xf32, #tpu.memory_space<vmem>>, vector<16xf32>,
      tpu.vector_store %arg14[%swap3A_163, %swap3A_164], %gather3A_162 {strides = array<i32>} : memref<64x128xf32, #tpu.memory_space<vmem>>, vector<16xf32>,
      %gather3A_166 = arith.constant 1 : i32
      %gather3A_167 = arith.constant 0 : i32
      %gather3A_168 = arith.constant 0 : i32
      %gather3A_169 = tpu.memref_slice %arg13[%select_n3A_106, %gather3A_166, %gather3A_167, %gather3A_168] : memref<7x2x64x128xf32, #tpu.memory_space<vmem>> -> memref<1x1x64x128xf32, #tpu.memory_space<vmem>>
      %gather3A_170 = tpu.memref_squeeze %gather3A_169 : memref<1x1x64x128xf32, #tpu.memory_space<vmem>> -> memref<64x128xf32, #tpu.memory_space<vmem>>
      %gather3A_171 = tpu.vector_load_idx %gather3A_170[%add3A_5, %add3A_129] : memref<64x128xf32, #tpu.memory_space<vmem>>[vector<16xi32>, vector<16xi32>], vector<16xf32>,
      %swap3A_172 = arith.index_cast %and3A_131 : i32 to index
      %swap3A_173 = arith.constant 64 : index
      %swap3A_174 = tpu.vector_load %arg14[%swap3A_172, %swap3A_173] {strides = array<i32>} : memref<64x128xf32, #tpu.memory_space<vmem>>, vector<16xf32>,
      tpu.vector_store %arg14[%swap3A_172, %swap3A_173], %gather3A_171 {strides = array<i32>} : memref<64x128xf32, #tpu.memory_space<vmem>>, vector<16xf32>,
      %gather3A_175 = arith.constant 1 : i32
      %gather3A_176 = arith.constant 0 : i32
      %gather3A_177 = arith.constant 0 : i32
      %gather3A_178 = tpu.memref_slice %arg13[%select_n3A_106, %gather3A_175, %gather3A_176, %gather3A_177] : memref<7x2x64x128xf32, #tpu.memory_space<vmem>> -> memref<1x1x64x128xf32, #tpu.memory_space<vmem>>
      %gather3A_179 = tpu.memref_squeeze %gather3A_178 : memref<1x1x64x128xf32, #tpu.memory_space<vmem>> -> memref<64x128xf32, #tpu.memory_space<vmem>>
      %gather3A_180 = tpu.vector_load_idx %gather3A_179[%add3A_9, %add3A_129] : memref<64x128xf32, #tpu.memory_space<vmem>>[vector<16xi32>, vector<16xi32>], vector<16xf32>,
      %swap3A_181 = arith.index_cast %and3A_131 : i32 to index
      %swap3A_182 = arith.constant 80 : index
      %swap3A_183 = tpu.vector_load %arg14[%swap3A_181, %swap3A_182] {strides = array<i32>} : memref<64x128xf32, #tpu.memory_space<vmem>>, vector<16xf32>,
      tpu.vector_store %arg14[%swap3A_181, %swap3A_182], %gather3A_180 {strides = array<i32>} : memref<64x128xf32, #tpu.memory_space<vmem>>, vector<16xf32>,
      %gather3A_184 = arith.constant 1 : i32
      %gather3A_185 = arith.constant 0 : i32
      %gather3A_186 = arith.constant 0 : i32
      %gather3A_187 = tpu.memref_slice %arg13[%select_n3A_106, %gather3A_184, %gather3A_185, %gather3A_186] : memref<7x2x64x128xf32, #tpu.memory_space<vmem>> -> memref<1x1x64x128xf32, #tpu.memory_space<vmem>>
      %gather3A_188 = tpu.memref_squeeze %gather3A_187 : memref<1x1x64x128xf32, #tpu.memory_space<vmem>> -> memref<64x128xf32, #tpu.memory_space<vmem>>
      %gather3A_189 = tpu.vector_load_idx %gather3A_188[%add3A_13, %add3A_129] : memref<64x128xf32, #tpu.memory_space<vmem>>[vector<16xi32>, vector<16xi32>], vector<16xf32>,
      %swap3A_190 = arith.index_cast %and3A_131 : i32 to index
      %swap3A_191 = arith.constant 96 : index
      %swap3A_192 = tpu.vector_load %arg14[%swap3A_190, %swap3A_191] {strides = array<i32>} : memref<64x128xf32, #tpu.memory_space<vmem>>, vector<16xf32>,
      tpu.vector_store %arg14[%swap3A_190, %swap3A_191], %gather3A_189 {strides = array<i32>} : memref<64x128xf32, #tpu.memory_space<vmem>>, vector<16xf32>,
      %gather3A_193 = arith.constant 1 : i32
      %gather3A_194 = arith.constant 0 : i32
      %gather3A_195 = arith.constant 0 : i32
      %gather3A_196 = tpu.memref_slice %arg13[%select_n3A_106, %gather3A_193, %gather3A_194, %gather3A_195] : memref<7x2x64x128xf32, #tpu.memory_space<vmem>> -> memref<1x1x64x128xf32, #tpu.memory_space<vmem>>
      %gather3A_197 = tpu.memref_squeeze %gather3A_196 : memref<1x1x64x128xf32, #tpu.memory_space<vmem>> -> memref<64x128xf32, #tpu.memory_space<vmem>>
      %gather3A_198 = tpu.vector_load_idx %gather3A_197[%add3A_17, %add3A_129] : memref<64x128xf32, #tpu.memory_space<vmem>>[vector<16xi32>, vector<16xi32>], vector<16xf32>,
      %swap3A_199 = arith.index_cast %and3A_131 : i32 to index
      %swap3A_200 = arith.constant 112 : index
      %swap3A_201 = tpu.vector_load %arg14[%swap3A_199, %swap3A_200] {strides = array<i32>} : memref<64x128xf32, #tpu.memory_space<vmem>>, vector<16xf32>,
      tpu.vector_store %arg14[%swap3A_199, %swap3A_200], %gather3A_198 {strides = array<i32>} : memref<64x128xf32, #tpu.memory_space<vmem>>, vector<16xf32>,
      %and3A_202 = arith.constant 63 : i32
      %and3A_203 = arith.andi %add3A_39, %and3A_202 : i32
      %eq3A_204 = arith.constant 63 : i32
      %eq3A_205 = arith.cmpi eq, %and3A_203, %eq3A_204 : i32
      %convert_element_type3A = arith.extui %eq3A_205 : i1 to i32
      %cond3A = arith.constant 0 : i32
      %cond3A_206 = arith.cmpi ne, %convert_element_type3A, %cond3A : i32
      scf.if %cond3A_206 {
        %shift_right_arithmetic3A_210 = arith.constant 6 : i32
        %shift_right_arithmetic3A_211 = arith.shrsi %add3A_39, %shift_right_arithmetic3A_210 : i32
        %mul3A_212 = arith.constant 64 : i32
        %mul3A_213 = arith.muli %shift_right_arithmetic3A_211, %mul3A_212 : i32
        %add3A_214 = arith.addi %mul3A_2, %mul3A_213 : i32
        "tpu.region"() ({
          %run_scoped3A = tpu.sem_alloc : memref<!tpu.dma_semaphore, #tpu.memory_space<semaphore_mem>>
          %dma_start3A = arith.constant 0 : i32
          %dma_start3A_215 = tpu.memref_slice %arg8[%add3A_214, %dma_start3A] : memref<16384x128xf32, #tpu.memory_space<hbm>> -> memref<64x128xf32, #tpu.memory_space<hbm>>
          %dma_start3A_216 = arith.constant 0 : i32
          %dma_start3A_217 = tpu.memref_slice %arg8[%add3A_214, %dma_start3A_216] : memref<16384x128xf32, #tpu.memory_space<hbm>> -> memref<64x128xf32, #tpu.memory_space<hbm>>
          tpu.enqueue_dma source(%arg14 : memref<64x128xf32, #tpu.memory_space<vmem>>) target(%dma_start3A_217 : memref<64x128xf32, #tpu.memory_space<hbm>>) target_semaphore(%run_scoped3A : memref<!tpu.dma_semaphore, #tpu.memory_space<semaphore_mem>>)
          %dma_wait3A = arith.constant 0 : i32
          %dma_wait3A_218 = tpu.memref_slice %arg8[%add3A_214, %dma_wait3A] : memref<16384x128xf32, #tpu.memory_space<hbm>> -> memref<64x128xf32, #tpu.memory_space<hbm>>
          %dma_wait3A_219 = arith.constant 0 : i32
          %dma_wait3A_220 = tpu.memref_slice %arg8[%add3A_214, %dma_wait3A_219] : memref<16384x128xf32, #tpu.memory_space<hbm>> -> memref<64x128xf32, #tpu.memory_space<hbm>>
          tpu.wait_dma2 semaphore(%run_scoped3A : memref<!tpu.dma_semaphore, #tpu.memory_space<semaphore_mem>>) src(%arg14 : memref<64x128xf32, #tpu.memory_space<vmem>>) dst(%dma_wait3A_220 : memref<64x128xf32, #tpu.memory_space<hbm>>)
          tpu.yield
        }) : () -> ()
      } else {
      }
      %max3A = arith.maxsi %scan3A_34, %min3A : i32
      %add3A_207 = arith.constant 1 : i32
      %add3A_208 = arith.addi %reduce_sum3A_56, %add3A_207 : i32
      %max3A_209 = arith.maxsi %scan3A_35, %add3A_208 : i32
      scf.yield %max3A, %max3A_209 : i32, i32
    }
    %scan3A_32 = arith.constant 512 : i32
    return
  }
}

#map = affine_map<(d0, d1) -> (0, 0)>
module attributes {stable_mosaic.version = 14 : i64} {
  func.func @sc_unsort(%arg0: i32, %arg1: i32, %arg2: memref<16384x128xf32, #tpu.memory_space<hbm>>, %arg3: memref<128x128xi32, #tpu.memory_space<hbm>>, %arg4: memref<16384x128xf32, #tpu.memory_space<hbm>>, %arg5: memref<4x128xi32, #tpu.memory_space<vmem>>, %arg6: memref<512x128xf32, #tpu.memory_space<vmem>>, %arg7: memref<!tpu.dma_semaphore, #tpu.memory_space<semaphore_mem>>) attributes {dimension_semantics = [#tpu.dimension_semantics<core_parallel>, #tpu.dimension_semantics<subcore_parallel>], iteration_bounds = array<i64: 2, 16>, scalar_prefetch = 0 : i64, scratch_operands = 3 : i64, tpu.core_type = #tpu.core_type<sc_vector_subcore>, window_params = [{transform_indices = #map}, {transform_indices = #map}, {transform_indices = #map}]} {
    %mul3A = arith.constant 2 : i32
    %mul3A_0 = arith.muli %arg1, %mul3A : i32
    %add3A = arith.addi %mul3A_0, %arg0 : i32
    %mul3A_1 = arith.constant 512 : i32
    %mul3A_2 = arith.muli %add3A, %mul3A_1 : i32
    %mul3A_3 = arith.constant 4 : i32
    %mul3A_4 = arith.muli %add3A, %mul3A_3 : i32
    "tpu.region"() ({
      %run_scoped3A = tpu.sem_alloc : memref<!tpu.dma_semaphore, #tpu.memory_space<semaphore_mem>>
      %dma_start3A_83 = arith.constant 0 : i32
      %dma_start3A_84 = tpu.memref_slice %arg3[%mul3A_4, %dma_start3A_83] : memref<128x128xi32, #tpu.memory_space<hbm>> -> memref<4x128xi32, #tpu.memory_space<hbm>>
      %dma_start3A_85 = arith.constant 0 : i32
      %dma_start3A_86 = tpu.memref_slice %arg3[%mul3A_4, %dma_start3A_85] : memref<128x128xi32, #tpu.memory_space<hbm>> -> memref<4x128xi32, #tpu.memory_space<hbm>>
      tpu.enqueue_dma source(%dma_start3A_86 : memref<4x128xi32, #tpu.memory_space<hbm>>) target(%arg5 : memref<4x128xi32, #tpu.memory_space<vmem>>) target_semaphore(%run_scoped3A : memref<!tpu.dma_semaphore, #tpu.memory_space<semaphore_mem>>)
      %dma_wait3A_87 = arith.constant 0 : i32
      %dma_wait3A_88 = tpu.memref_slice %arg3[%mul3A_4, %dma_wait3A_87] : memref<128x128xi32, #tpu.memory_space<hbm>> -> memref<4x128xi32, #tpu.memory_space<hbm>>
      %dma_wait3A_89 = arith.constant 0 : i32
      %dma_wait3A_90 = tpu.memref_slice %arg3[%mul3A_4, %dma_wait3A_89] : memref<128x128xi32, #tpu.memory_space<hbm>> -> memref<4x128xi32, #tpu.memory_space<hbm>>
      tpu.wait_dma2 semaphore(%run_scoped3A : memref<!tpu.dma_semaphore, #tpu.memory_space<semaphore_mem>>) src(%dma_wait3A_90 : memref<4x128xi32, #tpu.memory_space<hbm>>) dst(%arg5 : memref<4x128xi32, #tpu.memory_space<vmem>>)
      tpu.yield
    }) : () -> ()
    %dma_start3A = arith.constant 0 : i32
    %dma_start3A_5 = arith.constant 0 : i32
    %dma_start3A_6 = arith.constant 0 : i32
    %dma_start3A_7 = tpu.memref_slice %arg6[%dma_start3A_5, %dma_start3A_6] : memref<512x128xf32, #tpu.memory_space<vmem>> -> memref<128x128xf32, #tpu.memory_space<vmem>>
    %dma_start3A_8 = arith.constant 0 : i32
    %dma_start3A_9 = tpu.memref_slice %arg5[%dma_start3A, %dma_start3A_8] : memref<4x128xi32, #tpu.memory_space<vmem>> -> memref<1x128xi32, #tpu.memory_space<vmem>>
    %dma_start3A_10 = tpu.memref_squeeze %dma_start3A_9 : memref<1x128xi32, #tpu.memory_space<vmem>> -> memref<128xi32, #tpu.memory_space<vmem>>
    %dma_start3A_11 = arith.constant 0 : i32
    %dma_start3A_12 = arith.constant 0 : i32
    %dma_start3A_13 = tpu.memref_slice %arg2[%dma_start3A_11, %dma_start3A_12] : memref<16384x128xf32, #tpu.memory_space<hbm>> -> memref<16384x128xf32, #tpu.memory_space<hbm>>
    tpu.enqueue_indirect_dma source(%dma_start3A_13 : memref<16384x128xf32, #tpu.memory_space<hbm>>) target(%dma_start3A_7 : memref<128x128xf32, #tpu.memory_space<vmem>>) offsets(%dma_start3A_10 : memref<128xi32, #tpu.memory_space<vmem>>) semaphore(%arg7 : memref<!tpu.dma_semaphore, #tpu.memory_space<semaphore_mem>>)
    %dma_start3A_14 = arith.constant 1 : i32
    %dma_start3A_15 = arith.constant 128 : i32
    %dma_start3A_16 = arith.constant 0 : i32
    %dma_start3A_17 = tpu.memref_slice %arg6[%dma_start3A_15, %dma_start3A_16] : memref<512x128xf32, #tpu.memory_space<vmem>> -> memref<128x128xf32, #tpu.memory_space<vmem>>
    %dma_start3A_18 = arith.constant 0 : i32
    %dma_start3A_19 = tpu.memref_slice %arg5[%dma_start3A_14, %dma_start3A_18] : memref<4x128xi32, #tpu.memory_space<vmem>> -> memref<1x128xi32, #tpu.memory_space<vmem>>
    %dma_start3A_20 = tpu.memref_squeeze %dma_start3A_19 : memref<1x128xi32, #tpu.memory_space<vmem>> -> memref<128xi32, #tpu.memory_space<vmem>>
    %dma_start3A_21 = arith.constant 0 : i32
    %dma_start3A_22 = arith.constant 0 : i32
    %dma_start3A_23 = tpu.memref_slice %arg2[%dma_start3A_21, %dma_start3A_22] : memref<16384x128xf32, #tpu.memory_space<hbm>> -> memref<16384x128xf32, #tpu.memory_space<hbm>>
    tpu.enqueue_indirect_dma source(%dma_start3A_23 : memref<16384x128xf32, #tpu.memory_space<hbm>>) target(%dma_start3A_17 : memref<128x128xf32, #tpu.memory_space<vmem>>) offsets(%dma_start3A_20 : memref<128xi32, #tpu.memory_space<vmem>>) semaphore(%arg7 : memref<!tpu.dma_semaphore, #tpu.memory_space<semaphore_mem>>)
    %dma_start3A_24 = arith.constant 2 : i32
    %dma_start3A_25 = arith.constant 256 : i32
    %dma_start3A_26 = arith.constant 0 : i32
    %dma_start3A_27 = tpu.memref_slice %arg6[%dma_start3A_25, %dma_start3A_26] : memref<512x128xf32, #tpu.memory_space<vmem>> -> memref<128x128xf32, #tpu.memory_space<vmem>>
    %dma_start3A_28 = arith.constant 0 : i32
    %dma_start3A_29 = tpu.memref_slice %arg5[%dma_start3A_24, %dma_start3A_28] : memref<4x128xi32, #tpu.memory_space<vmem>> -> memref<1x128xi32, #tpu.memory_space<vmem>>
    %dma_start3A_30 = tpu.memref_squeeze %dma_start3A_29 : memref<1x128xi32, #tpu.memory_space<vmem>> -> memref<128xi32, #tpu.memory_space<vmem>>
    %dma_start3A_31 = arith.constant 0 : i32
    %dma_start3A_32 = arith.constant 0 : i32
    %dma_start3A_33 = tpu.memref_slice %arg2[%dma_start3A_31, %dma_start3A_32] : memref<16384x128xf32, #tpu.memory_space<hbm>> -> memref<16384x128xf32, #tpu.memory_space<hbm>>
    tpu.enqueue_indirect_dma source(%dma_start3A_33 : memref<16384x128xf32, #tpu.memory_space<hbm>>) target(%dma_start3A_27 : memref<128x128xf32, #tpu.memory_space<vmem>>) offsets(%dma_start3A_30 : memref<128xi32, #tpu.memory_space<vmem>>) semaphore(%arg7 : memref<!tpu.dma_semaphore, #tpu.memory_space<semaphore_mem>>)
    %dma_start3A_34 = arith.constant 3 : i32
    %dma_start3A_35 = arith.constant 384 : i32
    %dma_start3A_36 = arith.constant 0 : i32
    %dma_start3A_37 = tpu.memref_slice %arg6[%dma_start3A_35, %dma_start3A_36] : memref<512x128xf32, #tpu.memory_space<vmem>> -> memref<128x128xf32, #tpu.memory_space<vmem>>
    %dma_start3A_38 = arith.constant 0 : i32
    %dma_start3A_39 = tpu.memref_slice %arg5[%dma_start3A_34, %dma_start3A_38] : memref<4x128xi32, #tpu.memory_space<vmem>> -> memref<1x128xi32, #tpu.memory_space<vmem>>
    %dma_start3A_40 = tpu.memref_squeeze %dma_start3A_39 : memref<1x128xi32, #tpu.memory_space<vmem>> -> memref<128xi32, #tpu.memory_space<vmem>>
    %dma_start3A_41 = arith.constant 0 : i32
    %dma_start3A_42 = arith.constant 0 : i32
    %dma_start3A_43 = tpu.memref_slice %arg2[%dma_start3A_41, %dma_start3A_42] : memref<16384x128xf32, #tpu.memory_space<hbm>> -> memref<16384x128xf32, #tpu.memory_space<hbm>>
    tpu.enqueue_indirect_dma source(%dma_start3A_43 : memref<16384x128xf32, #tpu.memory_space<hbm>>) target(%dma_start3A_37 : memref<128x128xf32, #tpu.memory_space<vmem>>) offsets(%dma_start3A_40 : memref<128xi32, #tpu.memory_space<vmem>>) semaphore(%arg7 : memref<!tpu.dma_semaphore, #tpu.memory_space<semaphore_mem>>)
    %dma_wait3A = arith.constant 0 : i32
    %dma_wait3A_44 = arith.constant 0 : i32
    %dma_wait3A_45 = arith.constant 0 : i32
    %dma_wait3A_46 = tpu.memref_slice %arg6[%dma_wait3A_44, %dma_wait3A_45] : memref<512x128xf32, #tpu.memory_space<vmem>> -> memref<128x128xf32, #tpu.memory_space<vmem>>
    %dma_wait3A_47 = arith.constant 0 : i32
    %dma_wait3A_48 = tpu.memref_slice %arg5[%dma_wait3A, %dma_wait3A_47] : memref<4x128xi32, #tpu.memory_space<vmem>> -> memref<1x128xi32, #tpu.memory_space<vmem>>
    %dma_wait3A_49 = tpu.memref_squeeze %dma_wait3A_48 : memref<1x128xi32, #tpu.memory_space<vmem>> -> memref<128xi32, #tpu.memory_space<vmem>>
    %dma_wait3A_50 = arith.constant 0 : i32
    %dma_wait3A_51 = arith.constant 0 : i32
    %dma_wait3A_52 = tpu.memref_slice %arg2[%dma_wait3A_50, %dma_wait3A_51] : memref<16384x128xf32, #tpu.memory_space<hbm>> -> memref<16384x128xf32, #tpu.memory_space<hbm>>
    tpu.wait_indirect_dma semaphore(%arg7 : memref<!tpu.dma_semaphore, #tpu.memory_space<semaphore_mem>>) src(%dma_wait3A_52 : memref<16384x128xf32, #tpu.memory_space<hbm>>) dst(%dma_wait3A_46 : memref<128x128xf32, #tpu.memory_space<vmem>>)
    %dma_wait3A_53 = arith.constant 1 : i32
    %dma_wait3A_54 = arith.constant 128 : i32
    %dma_wait3A_55 = arith.constant 0 : i32
    %dma_wait3A_56 = tpu.memref_slice %arg6[%dma_wait3A_54, %dma_wait3A_55] : memref<512x128xf32, #tpu.memory_space<vmem>> -> memref<128x128xf32, #tpu.memory_space<vmem>>
    %dma_wait3A_57 = arith.constant 0 : i32
    %dma_wait3A_58 = tpu.memref_slice %arg5[%dma_wait3A_53, %dma_wait3A_57] : memref<4x128xi32, #tpu.memory_space<vmem>> -> memref<1x128xi32, #tpu.memory_space<vmem>>
    %dma_wait3A_59 = tpu.memref_squeeze %dma_wait3A_58 : memref<1x128xi32, #tpu.memory_space<vmem>> -> memref<128xi32, #tpu.memory_space<vmem>>
    %dma_wait3A_60 = arith.constant 0 : i32
    %dma_wait3A_61 = arith.constant 0 : i32
    %dma_wait3A_62 = tpu.memref_slice %arg2[%dma_wait3A_60, %dma_wait3A_61] : memref<16384x128xf32, #tpu.memory_space<hbm>> -> memref<16384x128xf32, #tpu.memory_space<hbm>>
    tpu.wait_indirect_dma semaphore(%arg7 : memref<!tpu.dma_semaphore, #tpu.memory_space<semaphore_mem>>) src(%dma_wait3A_62 : memref<16384x128xf32, #tpu.memory_space<hbm>>) dst(%dma_wait3A_56 : memref<128x128xf32, #tpu.memory_space<vmem>>)
    %dma_wait3A_63 = arith.constant 2 : i32
    %dma_wait3A_64 = arith.constant 256 : i32
    %dma_wait3A_65 = arith.constant 0 : i32
    %dma_wait3A_66 = tpu.memref_slice %arg6[%dma_wait3A_64, %dma_wait3A_65] : memref<512x128xf32, #tpu.memory_space<vmem>> -> memref<128x128xf32, #tpu.memory_space<vmem>>
    %dma_wait3A_67 = arith.constant 0 : i32
    %dma_wait3A_68 = tpu.memref_slice %arg5[%dma_wait3A_63, %dma_wait3A_67] : memref<4x128xi32, #tpu.memory_space<vmem>> -> memref<1x128xi32, #tpu.memory_space<vmem>>
    %dma_wait3A_69 = tpu.memref_squeeze %dma_wait3A_68 : memref<1x128xi32, #tpu.memory_space<vmem>> -> memref<128xi32, #tpu.memory_space<vmem>>
    %dma_wait3A_70 = arith.constant 0 : i32
    %dma_wait3A_71 = arith.constant 0 : i32
    %dma_wait3A_72 = tpu.memref_slice %arg2[%dma_wait3A_70, %dma_wait3A_71] : memref<16384x128xf32, #tpu.memory_space<hbm>> -> memref<16384x128xf32, #tpu.memory_space<hbm>>
    tpu.wait_indirect_dma semaphore(%arg7 : memref<!tpu.dma_semaphore, #tpu.memory_space<semaphore_mem>>) src(%dma_wait3A_72 : memref<16384x128xf32, #tpu.memory_space<hbm>>) dst(%dma_wait3A_66 : memref<128x128xf32, #tpu.memory_space<vmem>>)
    %dma_wait3A_73 = arith.constant 3 : i32
    %dma_wait3A_74 = arith.constant 384 : i32
    %dma_wait3A_75 = arith.constant 0 : i32
    %dma_wait3A_76 = tpu.memref_slice %arg6[%dma_wait3A_74, %dma_wait3A_75] : memref<512x128xf32, #tpu.memory_space<vmem>> -> memref<128x128xf32, #tpu.memory_space<vmem>>
    %dma_wait3A_77 = arith.constant 0 : i32
    %dma_wait3A_78 = tpu.memref_slice %arg5[%dma_wait3A_73, %dma_wait3A_77] : memref<4x128xi32, #tpu.memory_space<vmem>> -> memref<1x128xi32, #tpu.memory_space<vmem>>
    %dma_wait3A_79 = tpu.memref_squeeze %dma_wait3A_78 : memref<1x128xi32, #tpu.memory_space<vmem>> -> memref<128xi32, #tpu.memory_space<vmem>>
    %dma_wait3A_80 = arith.constant 0 : i32
    %dma_wait3A_81 = arith.constant 0 : i32
    %dma_wait3A_82 = tpu.memref_slice %arg2[%dma_wait3A_80, %dma_wait3A_81] : memref<16384x128xf32, #tpu.memory_space<hbm>> -> memref<16384x128xf32, #tpu.memory_space<hbm>>
    tpu.wait_indirect_dma semaphore(%arg7 : memref<!tpu.dma_semaphore, #tpu.memory_space<semaphore_mem>>) src(%dma_wait3A_82 : memref<16384x128xf32, #tpu.memory_space<hbm>>) dst(%dma_wait3A_76 : memref<128x128xf32, #tpu.memory_space<vmem>>)
    "tpu.region"() ({
      %run_scoped3A = tpu.sem_alloc : memref<!tpu.dma_semaphore, #tpu.memory_space<semaphore_mem>>
      %dma_start3A_83 = arith.constant 0 : i32
      %dma_start3A_84 = tpu.memref_slice %arg4[%mul3A_2, %dma_start3A_83] : memref<16384x128xf32, #tpu.memory_space<hbm>> -> memref<512x128xf32, #tpu.memory_space<hbm>>
      %dma_start3A_85 = arith.constant 0 : i32
      %dma_start3A_86 = tpu.memref_slice %arg4[%mul3A_2, %dma_start3A_85] : memref<16384x128xf32, #tpu.memory_space<hbm>> -> memref<512x128xf32, #tpu.memory_space<hbm>>
      tpu.enqueue_dma source(%arg6 : memref<512x128xf32, #tpu.memory_space<vmem>>) target(%dma_start3A_86 : memref<512x128xf32, #tpu.memory_space<hbm>>) target_semaphore(%run_scoped3A : memref<!tpu.dma_semaphore, #tpu.memory_space<semaphore_mem>>)
      %dma_wait3A_87 = arith.constant 0 : i32
      %dma_wait3A_88 = tpu.memref_slice %arg4[%mul3A_2, %dma_wait3A_87] : memref<16384x128xf32, #tpu.memory_space<hbm>> -> memref<512x128xf32, #tpu.memory_space<hbm>>
      %dma_wait3A_89 = arith.constant 0 : i32
      %dma_wait3A_90 = tpu.memref_slice %arg4[%mul3A_2, %dma_wait3A_89] : memref<16384x128xf32, #tpu.memory_space<hbm>> -> memref<512x128xf32, #tpu.memory_space<hbm>>
      tpu.wait_dma2 semaphore(%run_scoped3A : memref<!tpu.dma_semaphore, #tpu.memory_space<semaphore_mem>>) src(%arg6 : memref<512x128xf32, #tpu.memory_space<vmem>>) dst(%dma_wait3A_90 : memref<512x128xf32, #tpu.memory_space<hbm>>)
      tpu.yield
    }) : () -> ()
    return
  }
}

</mosaic_0001>

<sc_bundles>
// kernel: gather_offload_async_start
scs
__scs_entry_jumppad:
0x0: {  	(pc) =	sbr.rel $0x88, $3  }
0x1: {  	(tag) =	ssettag $0x0;
	lr =	simm.s32 $0x1  }
0x2: {  	[smem:$0x3F9E] =	sst lr;
	_ =	strace $0xD0000000  }
0x3: {  	_ = 	snop  }
0x4: {  	_ = 	snop  }
0x5: {  	_ = 	snop  }
0x6: {  	_ = 	snop  }
0x7: {  	_ = 	snop  }
__scs_overlays_trampoline_lowered:
0x8: {  	[smem:$0x3FAD] =	sst s0  }
0x9: {  	[smem:$0x3FAE] =	sst s1  }
0xa: {  	[smem:$0x3FAF] =	sst s2  }
0xb: {  	[smem:$0x3FB0] =	sst s3  }
0xc: {  	[smem:$0x3FB1] =	sst s4  }
0xd: {  	[smem:$0x3FB2] =	sst s5  }
0xe: {  	[smem:$0x3FB3] =	sst s6  }
0xf: {  	[smem:$0x3FB4] =	sst s7  }
0x10: {  	[smem:$0x3FB5] =	sst s8  }
0x11: {  	[smem:$0x3FB6] =	sst s9;
	s0 =	simm.s32 @!p0 $0x0  }
0x12: {  	s1 =	sld [smem:$0x3F9C];
	s0 =	simm.s32 @p0 $0x1  }
0x13: {  	[smem:$0x3FB7] =	sst s0;
	s0 =	simm.s32 @!p1 $0x0  }
0x14: {  	s2 =	sld [smem:$0x3F9B];
	s0 =	simm.s32 @p1 $0x1  }
0x15: {  	[smem:$0x3FB8] =	sst s0;
	s0 =	simm.s32 @!p2 $0x0  }
0x16: {  	s3 =	sld [smem:$0x3FDB];
	s0 =	simm.s32 @p2 $0x1  }
0x17: {  	s4 =	simm.s32 $0x1BF5;
	[smem:$0x3FBA] =	sst s0  }
0x18: {  	s0 =	sld [smem:$0x3F9D];
	_ =	swait.ge [sflag:s4], $0x0  }
0x19: {  	s7 =	sld [smem:$0x3F9E]  }
0x1a: {  	s8 =	sadd.s32 $0xFFFFE003, lr  }
0x1b: {  	s9 =	sadd.s32 $0xFFFFFEF7, lr;
	s5 =	simm.s32 $0xFFFFFFFF;
	p2 =	slt.u32 s8, $0xFFFFF086  }
0x1c: {  	p1 =	slt.u32 s9, $0xF7A;
	s5 =	simm.s32 @!p2 $0x0  }
0x1d: {  	s5 =	simm.s32 @p1 $0x1;
	p0 =	seq.s32 s7, s2  }
0x1e: {  	s7 =	smul.u32 @!p0 $0xF7A, s2;
	p2 =	seq.s32 @!p0 s5, $0x0  }
0x1f: {  	s9 =	smul.u32 $0xF7A, s1;
	s8 =	simm.s32 @!p0 $0x1BF5;
	p2 =	por !p2, p0  }
0x20: {  	[sflag:s8] =	ssyncset.s32 @!p0 $0xFFFFF086;
	s6 =	sadd.s32 @!p0 s3, s7;
	s7 =	simm.s32 @!p0 $0x108  }
0x21: {  	s3 =	sadd.s32 s3, s9;
	s6 =	sadd.s32 @!p0 $0x88, s6;
	s7 =	simm.s32 @p2 $0x1082  }
0x22: {  	[simem:s7], [sflag:s8] =	dma.local @!p0 [hbm:s6], $0xF7A  }
0x23: {  	s9 =	sor.u32 $0xD0000000, s2;
	s6 =	simm.s32 $0x108;
	_ =	swait.ge @!p0 [sflag:s8], $0x0  }
0x24: {  	s3 =	sadd.s32 $0x88, s3;
	s6 =	simm.s32 @!p1 $0x1082;
	[sflag:s4] =	ssyncset.s32 $0xFFFFF086  }
0x25: {  	[simem:s6], [sflag:s4] =	dma.local [hbm:s3], $0xF7A  }
0x26: {  	[smem:$0x3F9E] =	sst s1;
	(tag) =	ssettag s2;
	_ =	strace s9  }
0x27: {  	s1 =	sld [smem:$0x3FAE]  }
0x28: {  	s2 =	sld [smem:$0x3FAF]  }
0x29: {  	s4 =	sld [smem:$0x3FB1]  }
0x2a: {  	p0 =	seq.s32 s5, $0x0;
	s5 =	sld [smem:$0x3FB2]  }
0x2b: {  	s6 =	sld [smem:$0x3FB3]  }
0x2c: {  	s7 =	sld [smem:$0x3FB4]  }
0x2d: {  	s3 =	simm.s32 $0x108;
	s8 =	sld [smem:$0x3FB5]  }
0x2e: {  	s3 =	simm.s32 @!p0 $0x1082;
	s9 =	sld [smem:$0x3FB6]  }
0x2f: {  	lr =	sadd.s32 s0, s3;
	s0 =	sld [smem:$0x3FAD]  }
0x30: {  	s3 =	sld [smem:$0x3FB0]  }
0x31: {  	[smem:$0x3FB9] =	sst s10  }
0x32: {  	s10 =	sld [smem:$0x3FB7];
	_ =	sdelay $0x3  }
0x33: {  	p0 =	seq.s32 s10, $0x1;
	s10 =	sld [smem:$0x3FB9];
	_ =	sdelay $0x3  }
0x34: {  	[smem:$0x3FB9] =	sst s10  }
0x35: {  	s10 =	sld [smem:$0x3FB8];
	_ =	sdelay $0x3  }
0x36: {  	p1 =	seq.s32 s10, $0x1;
	s10 =	sld [smem:$0x3FB9];
	_ =	sdelay $0x3  }
0x37: {  	[smem:$0x3FB9] =	sst s10  }
0x38: {  	s10 =	sld [smem:$0x3FBA]  }
0x39: {  	_ = 	snop;
	(pc) =	sbr.ind lr, $3  }
0x3a: {  	_ = 	snop  }
0x3b: {  	_ = 	snop  }
0x3c: {  	p2 =	seq.s32 s10, $0x1;
	s10 =	sld [smem:$0x3FB9]  }
0x3d: {  	_ =	shalt  }
0x3e: {  	_ =	shalt  }
0x3f: {  	_ =	shalt  }
0x40: {  	_ =	shalt  }
0x41: {  	_ =	shalt  }
0x42: {  	_ =	shalt  }
0x43: {  	_ =	shalt  }
0x44: {  	_ =	shalt  }
0x45: {  	_ =	shalt  }
0x46: {  	_ =	shalt  }
0x47: {  	_ =	shalt  }
0x48: {  	_ =	shalt  }
0x49: {  	_ =	shalt  }
0x4a: {  	_ =	shalt  }
0x4b: {  	_ =	shalt  }
0x4c: {  	_ =	shalt  }
0x4d: {  	_ =	shalt  }
0x4e: {  	_ =	shalt  }
0x4f: {  	_ =	shalt  }
0x50: {  	_ =	shalt  }
0x51: {  	_ =	shalt  }
0x52: {  	_ =	shalt  }
0x53: {  	_ =	shalt  }
0x54: {  	_ =	shalt  }
0x55: {  	_ =	shalt  }
0x56: {  	_ =	shalt  }
0x57: {  	_ =	shalt  }
0x58: {  	_ =	shalt  }
0x59: {  	_ =	shalt  }
0x5a: {  	_ =	shalt  }
0x5b: {  	_ =	shalt  }
0x5c: {  	_ =	shalt  }
0x5d: {  	_ =	shalt  }
0x5e: {  	_ =	shalt  }
0x5f: {  	_ =	shalt  }
0x60: {  	_ =	shalt  }
0x61: {  	_ =	shalt  }
0x62: {  	_ =	shalt  }
0x63: {  	_ =	shalt  }
0x64: {  	_ =	shalt  }
0x65: {  	_ =	shalt  }
0x66: {  	_ =	shalt  }
0x67: {  	_ =	shalt  }
0x68: {  	_ =	shalt  }
0x69: {  	_ =	shalt  }
0x6a: {  	_ =	shalt  }
0x6b: {  	_ =	shalt  }
0x6c: {  	_ =	shalt  }
0x6d: {  	_ =	shalt  }
0x6e: {  	_ =	shalt  }
0x6f: {  	_ =	shalt  }
0x70: {  	_ =	shalt  }
0x71: {  	_ =	shalt  }
0x72: {  	_ =	shalt  }
0x73: {  	_ =	shalt  }
0x74: {  	_ =	shalt  }
0x75: {  	_ =	shalt  }
0x76: {  	_ =	shalt  }
0x77: {  	_ =	shalt  }
0x78: {  	_ =	shalt  }
0x79: {  	_ =	shalt  }
0x7a: {  	_ =	shalt  }
0x7b: {  	_ =	shalt  }
0x7c: {  	_ =	shalt  }
0x7d: {  	_ =	shalt  }
0x7e: {  	_ =	shalt  }
0x7f: {  	_ =	shalt  }
0x80: {  	_ =	shalt  }
0x81: {  	_ =	shalt  }
0x82: {  	_ =	shalt  }
0x83: {  	_ =	shalt  }
0x84: {  	_ =	shalt  }
0x85: {  	_ =	shalt  }
0x86: {  	_ =	shalt  }
0x87: {  	_ =	shalt  }
.Lfunc_end0:
.L_simem_size_0:
called_computation_lowered:
.L_overlay_start_0:
0x88: {  	s2 =	sld [smem:$0x3FD9]  }
0x89: {  	s3 =	sld [smem:$0x3FFE];
	_ =	sdelay $0x1  }
0x8a: {  	s1 =	srdreg.scid  }
0x8b: {  	s0 =	sand.u32 $0x1, s1  }
0x8c: {  	s14 =	sshll.u32 s0, $0xA;
	s2 =	sadd.s32 s3, s2  }
0x8d: {  	s2 =	sadd.s32 s2, s14  }
0x8e: {  	[smem:$0x3FC5] =	sst s2  }
0x8f: {  	_ = 	snop  }
0x90: {  	s2 =	sld [smem:$0x3FD0];
	_ =	sdelay $0x2  }
0x91: {  	s4 =	simm.s32 $0xA;
	s5 =	simm.s32 $0x10;
	s15 =	sld [smem:$0x3FC9]  }
0x92: {  	[smem:s5], [sflag:s4] =	dma.local [hbm:s2], $0x1  }
0x93: {  	_ =	swait.eq [sflag:s4], $0x1  }
0x94: {  	[sflag:s4] =	ssyncset.done $0x0  }
0x95: {  	[sflag:s4] =	ssyncadd.s32 $0xFFFFFFFF  }
0x96: {  	s16 =	sld [smem:$0x10];
	(tm) =	ssettm $0x1  }
0x97: {  	s17 =	sld [smem:$0x3FFB];
	_ =	sdelay $0x3  }
0x98: {  	_ =	strace s17  }
0x99: {  	s4 =	sld [smem:$0x3FFC];
	_ =	sdelay $0x3  }
0x9a: {  	_ =	strace s4  }
0x9b: {  	s4 =	sld [smem:$0x3FFD];
	_ =	sdelay $0x3  }
0x9c: {  	_ =	strace s4  }
0x9d: {  	_ =	strace $0x8FFFFFFF  }
0x9e: {  	s18 =	sld [smem:$0x3FDB];
	_ =	sdelay $0x1  }
0x9f: {  	s19 =	simm.s32 $_scs_section_size  }
0xa0: {  	s6 =	simm.s32 $_size__tile_overlayer_lowered;
	s7 =	simm.s32 $_tile_overlayer_lowered  }
0xa1: {  	s22 =	simm.s32 $0x1BFF;
	s21 =	sshll.u32 s7, $0x1;
	s4 =	sadd.s32 s19, s18  }
0xa2: {  	s8 =	simm.s32 $0x0;
	s20 =	sshll.u32 s6, $0x1;
	s6 =	sadd.s32 s21, s4  }
0xa3: {  	[timem:s8], [sflag:s22] =	dma.local [hbm:s6], s20  }
0xa4: {  	_ =	swait.ge [sflag:s22], s20  }
0xa5: {  	s5 =	ssub.s32 $0x0, s20;
	[sflag:s22] =	ssyncset.done $0x0  }
0xa6: {  	[sflag:s22] =	ssyncadd.s32 s5;
	_ =	sdelay $0x1  }
0xa7: {  	s23 =	simm.s32 $0x1B8B  }
0xa8: {  	_ =	swait.ge [sflag:s23], $0x1  }
0xa9: {  	[sflag:s23] =	ssyncset.done $0x0  }
0xaa: {  	s25 =	simm.s32 $0x1B8E;
	s24 =	sld [smem:$0x3FFE];
	[sflag:s23] =	ssyncadd.s32 $0xFFFFFFFF  }
0xab: {  	s26 =	simm.s32 $execute0_lowered;
	[smem:$0x3FD2] =	sst s25  }
0xac: {  	s6 =	sshll.u32 s26, $0x1;
	_ =	strace $0x80000046;
	[dreg:$0x1] =	wrdreg $0xFFFFFFFF  }
0xad: {  	s28 =	simm.s32 $_size_execute0_lowered;
	s4 =	sadd.s32 s4, s6;
	[dreg:$0x0] =	wrdreg $0x0  }
0xae: {  	s6 =	sshll.u32 s28, $0x1;
	[dreg:$0x2] =	wrdreg s4  }
0xaf: {  	[dreg:$0x3] =	wrdreg s6  }
0xb0: {  	[dreg:$0x4] =	wrdreg $0xC0  }
0xb1: {  	_ =	task [dreg:s8], $0x5FFFF  }
0xb2: {  	[dreg:$0x1] =	wrdreg $0xFFFFFFFF  }
0xb3: {  	[dreg:$0x0] =	wrdreg $0x60  }
0xb4: {  	[dreg:$0x2] =	wrdreg s15  }
0xb5: {  	[dreg:$0x3] =	wrdreg s16  }
0xb6: {  	[dreg:$0x4] =	wrdreg s24  }
0xb7: {  	[dreg:$0x5] =	wrdreg $0x9  }
0xb8: {  	_ =	task.clear_ibuf [dreg:s8], $0x6FFFF;
	_ =	strace $0x90000046  }
0xb9: {  	s29 =	simm.s32 $0x9;
	_ =	strace $0x80000048  }
0xba: {  	_ =	swait.ge [sflag:s29], $0x1  }
0xbb: {  	[sflag:s29] =	ssyncadd.s32 $0xFFFFFFFF  }
0xbc: {  	_ =	strace $0x90000048  }
0xbd: {  	_ =	sfence  }
0xbe: {  	s30 =	sld [smem:$0x0];
	_ =	sdelay $0x2  }
0xbf: {  	s31 =	sshll.u32 s1, $0xD;
	s1 =	sshrl.u32 s1, $0x2  }
0xc0: {  	s3 =	sand.u32 $0x4000, s31;
	s1 =	sadd.s32 s1, s30  }
0xc1: {  	s0 =	sor.u32 s3, s0;
	s1 =	sshll.u32 s1, $0x11  }
0xc2: {  	s0 =	sor.u32 s1, s0  }
0xc3: {  	s0 =	sadd.s32 $0x8F2B, s0  }
0xc4: {  	[sflag:s0] =	ssyncadd.remote.s32 $0x1  }
0xc5: {  	_ =	sfence.sel $0xFFFF  }
0xc6: {  	[dreg:$0x0] =	wrdreg $0xFFFFFFFF;
	(pc) =	sbr.abs _section_cstart, $3  }
0xc7: {  	[dreg:$0x1] =	wrdreg $0xFFFFFFFF  }
0xc8: {  	_ =	task.clear_ibuf [dreg:s8], $0x2FFFF;
	_ =	strace $0x9FFFFFFF  }
0xc9: {  	(tm) =	ssettm $0x7FFFFFFF  }
tec
execute0_lowered:
.L_overlay_start_1:
0x0: {  	(tag) =	ssettag $0x1  }
0x1: {  	s1 =	srdreg.scid;
	s2 =	rddreg [dreg:$0x0]  }
0x2: {  	s0 =	stileid.u32;
	s3 =	rddreg [dreg:$0x1]  }
0x3: {  	s4 =	rddreg [dreg:$0x2];
	s6 =	simm.s32 $0x1;
	s1 =	sshll.u32 s1, $0x8  }
0x4: {  	s9 =	simm.s32 $0x1;
	s5 =	sshll.u32 s0, $0x9;
	s1 =	sand.u32 $0x100, s1  }
0x5: {  	s10 =	simm.s32 $0x3;
	s13 =	simm.s32 $0x0;
	s5 =	sor.u32 s5, s1  }
0x6: {  	s12 =	simm.s32 $0x0;
	s1 =	rddreg [dreg:$0x3];
	s8 =	ssub.s32 $0x4000, s5  }
.Ltmp0:
0x7: {  	_ =	strace $0x80000047;
	s7 =	sand.u32 $0x1F00, s8;
	(pc) =	sbr.rel .LBB2_1-.Ltmp0, $4  }
0x8: {  	[sflag:s6] =	ssyncpa.u1 $0x0;
	s11 =	smov.u32 s5;
	p0 =	sne.s32 s7, $0x0  }
0x9: {  	s8 =	sshrl.u32 s8, $0xD;
	s7 =	simm.s32 $0x2;
	s9 =	simm.s32 @!p0 $0x0  }
0xa: {  	[sflag:s7] =	ssyncpa.u1 $0x0;
	p0 =	por $0x0, $0x0;
	s8 =	sadd.s32 s9, s8  }
0xb: {  	vm0 =	vmmov $0xffff;
	[sflag:s10] =	ssyncpa.u1 $0x0;
	s10 =	simm.s32 $0x0;
	s9 =	sadd.s32 $0x1, s8  }
.LBB2_4:
0xc: {  	v2 =	vnsel vm1, $0x0, v2  }
0xd: {  	vm1 =	vgt.s32 v0, $0x0;
	v2 =	vmin.u32 v2, $0x3FFF  }
0xe: {  	v0 =	vnsel vm1, $0x0, v0  }
0xf: {  	v0 =	vmin.u32 v0, $0x3FFF  }
0x10: {  	[tilespmem:s15], [sflag:$0x1] =	stream.indirect_vreg.gather [hbm4b:s2+s10], $0x1, v1, vm0, $0x4038;
	[tilespmem:$0x400] =	vst v63  }
0x11: {  	(ifvalue) =	ssetifvalue $0x7FFFFFFF  }
0x12: {  	[tilespmem:s16], [sflag:$0x1] =	stream.indirect_vreg.gather [hbm4b:s2+s10], $0x1, v2, vm0, $0x4038;
	[tilespmem:$0x400] =	vst v63  }
0x13: {  	s29 =	sadd.s32 $0x10, s16;
	(ifvalue) =	ssetifvalue $0x7FFFFFFF  }
0x14: {  	[tilespmem:s29], [sflag:$0x1] =	stream.indirect_vreg.gather [hbm4b:s2+s10], $0x1, v0, vm0, $0x4038;
	[tilespmem:$0x400] =	vst v63  }
0x15: {  	_ =	swait.ge [sflag:s6], $0x100  }
0x16: {  	s30 =	sshrl.u32 s13, $0x3;
	[sflag:s6] =	ssyncset.done $0x0  }
0x17: {  	s31 =	sand.u32 $0x7, s13;
	s15 =	sadd.s32 s4, s30;
	[sflag:s6] =	ssyncadd.s32 $0xFFFFFF00  }
0x18: {  	[hbm4b:s15+s31] =	stream.linear.scatter [tilespmem:s14], [sflag:$0x3], $0x100, $0x38;
	[tilespmem:$0x400] =	vst v63  }
.LBB2_5:
0x19: {  	s15 =	sadd.s32 $0x2000, s11  }
0x1a: {  	p2 =	sgt.s32 s15, $0x3FFF  }
0x1b: {  	s15 =	smov.u32 @p2 s5;
	p2 =	sne.s32 s12, s9  }
.Ltmp1:
0x1c: {  	p1 =	slt.u32 s12, $0x2;
	(pc) =	sbr.rel @!p2 .LBB2_6-.Ltmp1, $4  }
0x1d: {  	s14 =	simm.s32 @!p1 $0x3  }
0x1e: {  	s16 =	sadd.s32 $0x1, s12;
	_ =	swait.ge @!p1 [sflag:s14], $0x100  }
0x1f: {  	s13 =	smov.u32 s11;
	p0 =	por !p0, !p0;
	[sflag:s14] =	ssyncset.done @!p1 $0x0  }
0x20: {  	s12 =	smov.u32 s16;
	s11 =	smov.u32 s15;
	[sflag:s14] =	ssyncadd.s32 @!p1 $0xFFFFFF00  }
.LBB2_1:
0x21: {  	p1 =	sge.u32 s12, s8  }
0x22: {  	s14 =	sxor.u32 @!p1 $0xFFFFFFFF, s12  }
0x23: {  	s31 =	sadd.s32 $0xFFFFFFFF, s12;
	s15 =	sshrl.u32 @!p1 s11, $0x3;
	s14 =	sshll.u32 @!p1 s14, $0x8  }
0x24: {  	s16 =	sand.u32 @!p1 $0x7, s11;
	s15 =	sadd.s32 @!p1 s3, s15;
	s14 =	sand.u32 @!p1 $0x100, s14  }
0x25: {  	[tilespmem:s14], [sflag:$0x2] =	stream.linear.gather @!p1 [hbm4b:s15+s16], $0x100, $0x38;
	[tilespmem:$0x400] =	vst v63  }
0x26: {  	p1 =	sge.u32 s31, s8  }
.Ltmp2:
0x27: {  	_ = 	snop;
	(pc) =	sbr.rel @p1 .LBB2_5-.Ltmp2, $1  }
0x28: {  	_ =	sdelay $0x3  }
0x29: {  	s14 =	simm.s32 $0x1  }
0x2a: {  	_ =	swait.ge [sflag:s7], $0x100;
	s14 =	simm.s32 @!p0 $0x0  }
0x2b: {  	[sflag:s7] =	ssyncset.done $0x0;
	s14 =	sshll.u32 s14, $0x8  }
0x2c: {  	[sflag:s7] =	ssyncadd.s32 $0xFFFFFF00;
	(ifvalue) =	ssetifvalue $0x7FFFFFFF;
	v0 =	vld.msk [tilespmem:s14+$0x0 ss:$0x1], $0xffff;
	_ =	sdelay $0x4  }
0x2d: {  	s15 =	sadd.s32 $0x10, s14;
	vm1 =	vgt.s32 v0, $0x0  }
0x2e: {  	v2 =	vld.msk [tilespmem:s15+$0x0 ss:$0x1], $0xffff;
	v1 =	vnsel vm1, $0x0, v0  }
0x2f: {  	v1 =	vmin.u32 v1, $0x3FFF;
	_ =	sdelay $0x1  }
0x30: {  	s16 =	sshll.u32 s12, $0x8;
	s18 =	simm.s32 $0x20  }
0x31: {  	s16 =	sand.u32 $0x100, s16;
	s17 =	sadd.s32 $0x10, s15;
	s15 =	sor.u32 $0x200, s14  }
0x32: {  	s14 =	sor.u32 $0x200, s16;
	s16 =	sadd.s32 $0x10, s15;
	v0 =	vld.msk [tilespmem:s17+$0x0 ss:$0x1], $0xffff;
	vm1 =	vgt.s32 v2, $0x0;
	(ifvalue) =	ssetifvalue $0x7FFFFFFF  }
.LBB2_3:
0x33: {  	[tilespmem:s15], [sflag:$0x1] =	stream.indirect_vreg.gather [hbm4b:s2+s10], $0x1, v1, vm0, $0x4038;
	[tilespmem:$0x400] =	vst v63  }
0x34: {  	s18 =	sadd.s32 $0x10, s18  }
0x35: {  	v2 =	vnsel vm1, $0x0, v2;
	p1 =	slt.u32 s18, $0xF0  }
.Ltmp3:
0x36: {  	s15 =	smov.u32 s16;
	v1 =	vmin.u32 v2, $0x3FFF;
	(pc) =	sbr.rel @p1 .LBB2_3-.Ltmp3, $3  }
0x37: {  	_ =	sdelay $0x1  }
0x38: {  	s17 =	sadd.s32 $0x10, s17  }
0x39: {  	vm1 =	vgt.s32 v0, $0x0;
	s16 =	sadd.s32 $0x10, s16;
	v2 =	vmov v0;
	(ifvalue) =	ssetifvalue $0x7FFFFFFF;
	v0 =	vld.msk [tilespmem:s17+$0x0 ss:$0x1], $0xffff  }
.Ltmp4:
0x3a: {  	_ = 	snop;
	(pc) =	sbr.rel .LBB2_4-.Ltmp4, $1  }
0x3b: {  	_ =	sdelay $0x3  }
.LBB2_6:
0x3c: {  	_ =	sfence.sel $0x180000  }
0x3d: {  	s2 =	simm.s32 $0x2;
	[bflag:$0x0] =	sbarrier.arrive $0xFFFF  }
0x3e: {  	s30 =	simm.s32 $0x3;
	[sflag:s2] =	ssyncpa.u1 $0x1  }
0x3f: {  	s31 =	simm.s32 $0x1;
	[sflag:s30] =	ssyncpa.u1 $0x1  }
0x40: {  	[sflag:s31] =	ssyncpa.u1 $0x1  }
0x41: {  	p0 =	sne.s32 s0, $0x0;
	_ =	strace $0x90000047  }
0x42: {  	s0 =	sadd.s32 @!p0 $0x100000, s1;
	[bflag:$0x2] =	sbarrier.arrive $0xFFFF  }
0x43: {  	[sflag:s0] =	ssyncadd.tile.s32 @!p0 $0x1;
	_ =	shalt  }
.Lfunc_end2:
_tile_overlayer_lowered:
.L_overlay_start_2:
0x44: {  	(tag) =	ssettag $0x2  }
0x45: {  	s0 =	rddreg [dreg:$0x0];
	s2 =	stileid.u32  }
0x46: {  	s1 =	rddreg [dreg:$0x1];
	p0 =	sne.s32 s2, $0x0  }
0x47: {  	s3 =	rddreg [dreg:$0x2];
	[bflag:$0x3] =	sbarrier.arrive $0xFFFF;
	s2 =	simm.s32 @!p0 $0x1C01  }
0x48: {  	[timem:s3], [sflag:s2] =	dma.local @!p0 [hbm:s0], s1  }
0x49: {  	s0 =	simm.s32 @!p0 $0x1  }
0x4a: {  	_ =	swait.ge @!p0 [sflag:s0], s1  }
0x4b: {  	s1 =	ssub.s32 @!p0 $0x0, s1;
	[sflag:s0] =	ssyncset.done @!p0 $0x0  }
0x4c: {  	[sflag:s0] =	ssyncadd.s32 @!p0 s1  }
0x4d: {  	[bflag:$0x3] =	sbarrier.arrive $0xFFFF  }
0x4e: {  	_ =	shalt  }

// kernel: kernel.4.cloned.1.call-start
scs
__scs_entry_jumppad:
0x0: {  	(pc) =	sbr.rel $0x88, $3  }
0x1: {  	(tag) =	ssettag $0x0;
	lr =	simm.s32 $0x1  }
0x2: {  	[smem:$0x3F9E] =	sst lr;
	_ =	strace $0xD0000000  }
0x3: {  	_ = 	snop  }
0x4: {  	_ = 	snop  }
0x5: {  	_ = 	snop  }
0x6: {  	_ = 	snop  }
0x7: {  	_ = 	snop  }
__scs_overlays_trampoline_lowered:
0x8: {  	[smem:$0x3FAD] =	sst s0  }
0x9: {  	[smem:$0x3FAE] =	sst s1  }
0xa: {  	[smem:$0x3FAF] =	sst s2  }
0xb: {  	[smem:$0x3FB0] =	sst s3  }
0xc: {  	[smem:$0x3FB1] =	sst s4  }
0xd: {  	[smem:$0x3FB2] =	sst s5  }
0xe: {  	[smem:$0x3FB3] =	sst s6  }
0xf: {  	[smem:$0x3FB4] =	sst s7  }
0x10: {  	[smem:$0x3FB5] =	sst s8  }
0x11: {  	[smem:$0x3FB6] =	sst s9;
	s0 =	simm.s32 @!p0 $0x0  }
0x12: {  	s1 =	sld [smem:$0x3F9C];
	s0 =	simm.s32 @p0 $0x1  }
0x13: {  	[smem:$0x3FB7] =	sst s0;
	s0 =	simm.s32 @!p1 $0x0  }
0x14: {  	s2 =	sld [smem:$0x3F9B];
	s0 =	simm.s32 @p1 $0x1  }
0x15: {  	[smem:$0x3FB8] =	sst s0;
	s0 =	simm.s32 @!p2 $0x0  }
0x16: {  	s3 =	sld [smem:$0x3FDB];
	s0 =	simm.s32 @p2 $0x1  }
0x17: {  	s4 =	simm.s32 $0x1BF5;
	[smem:$0x3FBA] =	sst s0  }
0x18: {  	s0 =	sld [smem:$0x3F9D];
	_ =	swait.ge [sflag:s4], $0x0  }
0x19: {  	s7 =	sld [smem:$0x3F9E]  }
0x1a: {  	s8 =	sadd.s32 $0xFFFFE003, lr  }
0x1b: {  	s9 =	sadd.s32 $0xFFFFFEF7, lr;
	s5 =	simm.s32 $0xFFFFFFFF;
	p2 =	slt.u32 s8, $0xFFFFF086  }
0x1c: {  	p1 =	slt.u32 s9, $0xF7A;
	s5 =	simm.s32 @!p2 $0x0  }
0x1d: {  	s5 =	simm.s32 @p1 $0x1;
	p0 =	seq.s32 s7, s2  }
0x1e: {  	s7 =	smul.u32 @!p0 $0xF7A, s2;
	p2 =	seq.s32 @!p0 s5, $0x0  }
0x1f: {  	s9 =	smul.u32 $0xF7A, s1;
	s8 =	simm.s32 @!p0 $0x1BF5;
	p2 =	por !p2, p0  }
0x20: {  	[sflag:s8] =	ssyncset.s32 @!p0 $0xFFFFF086;
	s6 =	sadd.s32 @!p0 s3, s7;
	s7 =	simm.s32 @!p0 $0x108  }
0x21: {  	s3 =	sadd.s32 s3, s9;
	s6 =	sadd.s32 @!p0 $0x88, s6;
	s7 =	simm.s32 @p2 $0x1082  }
0x22: {  	[simem:s7], [sflag:s8] =	dma.local @!p0 [hbm:s6], $0xF7A  }
0x23: {  	s9 =	sor.u32 $0xD0000000, s2;
	s6 =	simm.s32 $0x108;
	_ =	swait.ge @!p0 [sflag:s8], $0x0  }
0x24: {  	s3 =	sadd.s32 $0x88, s3;
	s6 =	simm.s32 @!p1 $0x1082;
	[sflag:s4] =	ssyncset.s32 $0xFFFFF086  }
0x25: {  	[simem:s6], [sflag:s4] =	dma.local [hbm:s3], $0xF7A  }
0x26: {  	[smem:$0x3F9E] =	sst s1;
	(tag) =	ssettag s2;
	_ =	strace s9  }
0x27: {  	s1 =	sld [smem:$0x3FAE]  }
0x28: {  	s2 =	sld [smem:$0x3FAF]  }
0x29: {  	s4 =	sld [smem:$0x3FB1]  }
0x2a: {  	p0 =	seq.s32 s5, $0x0;
	s5 =	sld [smem:$0x3FB2]  }
0x2b: {  	s6 =	sld [smem:$0x3FB3]  }
0x2c: {  	s7 =	sld [smem:$0x3FB4]  }
0x2d: {  	s3 =	simm.s32 $0x108;
	s8 =	sld [smem:$0x3FB5]  }
0x2e: {  	s3 =	simm.s32 @!p0 $0x1082;
	s9 =	sld [smem:$0x3FB6]  }
0x2f: {  	lr =	sadd.s32 s0, s3;
	s0 =	sld [smem:$0x3FAD]  }
0x30: {  	s3 =	sld [smem:$0x3FB0]  }
0x31: {  	[smem:$0x3FB9] =	sst s10  }
0x32: {  	s10 =	sld [smem:$0x3FB7];
	_ =	sdelay $0x3  }
0x33: {  	p0 =	seq.s32 s10, $0x1;
	s10 =	sld [smem:$0x3FB9];
	_ =	sdelay $0x3  }
0x34: {  	[smem:$0x3FB9] =	sst s10  }
0x35: {  	s10 =	sld [smem:$0x3FB8];
	_ =	sdelay $0x3  }
0x36: {  	p1 =	seq.s32 s10, $0x1;
	s10 =	sld [smem:$0x3FB9];
	_ =	sdelay $0x3  }
0x37: {  	[smem:$0x3FB9] =	sst s10  }
0x38: {  	s10 =	sld [smem:$0x3FBA]  }
0x39: {  	_ = 	snop;
	(pc) =	sbr.ind lr, $3  }
0x3a: {  	_ = 	snop  }
0x3b: {  	_ = 	snop  }
0x3c: {  	p2 =	seq.s32 s10, $0x1;
	s10 =	sld [smem:$0x3FB9]  }
0x3d: {  	_ =	shalt  }
0x3e: {  	_ =	shalt  }
0x3f: {  	_ =	shalt  }
0x40: {  	_ =	shalt  }
0x41: {  	_ =	shalt  }
0x42: {  	_ =	shalt  }
0x43: {  	_ =	shalt  }
0x44: {  	_ =	shalt  }
0x45: {  	_ =	shalt  }
0x46: {  	_ =	shalt  }
0x47: {  	_ =	shalt  }
0x48: {  	_ =	shalt  }
0x49: {  	_ =	shalt  }
0x4a: {  	_ =	shalt  }
0x4b: {  	_ =	shalt  }
0x4c: {  	_ =	shalt  }
0x4d: {  	_ =	shalt  }
0x4e: {  	_ =	shalt  }
0x4f: {  	_ =	shalt  }
0x50: {  	_ =	shalt  }
0x51: {  	_ =	shalt  }
0x52: {  	_ =	shalt  }
0x53: {  	_ =	shalt  }
0x54: {  	_ =	shalt  }
0x55: {  	_ =	shalt  }
0x56: {  	_ =	shalt  }
0x57: {  	_ =	shalt  }
0x58: {  	_ =	shalt  }
0x59: {  	_ =	shalt  }
0x5a: {  	_ =	shalt  }
0x5b: {  	_ =	shalt  }
0x5c: {  	_ =	shalt  }
0x5d: {  	_ =	shalt  }
0x5e: {  	_ =	shalt  }
0x5f: {  	_ =	shalt  }
0x60: {  	_ =	shalt  }
0x61: {  	_ =	shalt  }
0x62: {  	_ =	shalt  }
0x63: {  	_ =	shalt  }
0x64: {  	_ =	shalt  }
0x65: {  	_ =	shalt  }
0x66: {  	_ =	shalt  }
0x67: {  	_ =	shalt  }
0x68: {  	_ =	shalt  }
0x69: {  	_ =	shalt  }
0x6a: {  	_ =	shalt  }
0x6b: {  	_ =	shalt  }
0x6c: {  	_ =	shalt  }
0x6d: {  	_ =	shalt  }
0x6e: {  	_ =	shalt  }
0x6f: {  	_ =	shalt  }
0x70: {  	_ =	shalt  }
0x71: {  	_ =	shalt  }
0x72: {  	_ =	shalt  }
0x73: {  	_ =	shalt  }
0x74: {  	_ =	shalt  }
0x75: {  	_ =	shalt  }
0x76: {  	_ =	shalt  }
0x77: {  	_ =	shalt  }
0x78: {  	_ =	shalt  }
0x79: {  	_ =	shalt  }
0x7a: {  	_ =	shalt  }
0x7b: {  	_ =	shalt  }
0x7c: {  	_ =	shalt  }
0x7d: {  	_ =	shalt  }
0x7e: {  	_ =	shalt  }
0x7f: {  	_ =	shalt  }
0x80: {  	_ =	shalt  }
0x81: {  	_ =	shalt  }
0x82: {  	_ =	shalt  }
0x83: {  	_ =	shalt  }
0x84: {  	_ =	shalt  }
0x85: {  	_ =	shalt  }
0x86: {  	_ =	shalt  }
0x87: {  	_ =	shalt  }
.Lfunc_end0:
.L_simem_size_0:
called_computation.1_lowered:
.L_overlay_start_0:
0x88: {  	s2 =	sld [smem:$0x3FD9]  }
0x89: {  	s3 =	sld [smem:$0x3FFE];
	_ =	sdelay $0x1  }
0x8a: {  	s1 =	srdreg.scid  }
0x8b: {  	s0 =	sand.u32 $0x1, s1  }
0x8c: {  	s14 =	sshll.u32 s0, $0xA;
	s2 =	sadd.s32 s3, s2  }
0x8d: {  	s2 =	sadd.s32 s2, s14  }
0x8e: {  	[smem:$0x3FC5] =	sst s2  }
0x8f: {  	_ = 	snop  }
0x90: {  	s2 =	sld [smem:$0x3FD0];
	_ =	sdelay $0x1  }
0x91: {  	s15 =	sld [smem:$0x3FC8]  }
0x92: {  	s5 =	simm.s32 $0xA;
	s6 =	simm.s32 $0x10;
	s4 =	sld [smem:$0x3FC7]  }
0x93: {  	[smem:s6], [sflag:s5] =	dma.local [hbm:s2], $0x1  }
0x94: {  	_ =	swait.eq [sflag:s5], $0x1  }
0x95: {  	[sflag:s5] =	ssyncset.done $0x0  }
0x96: {  	[sflag:s5] =	ssyncadd.s32 $0xFFFFFFFF  }
0x97: {  	s16 =	sld [smem:$0x10];
	(tm) =	ssettm $0x1  }
0x98: {  	s17 =	sld [smem:$0x3FFB];
	_ =	sdelay $0x3  }
0x99: {  	_ =	strace s17  }
0x9a: {  	s5 =	sld [smem:$0x3FFC];
	_ =	sdelay $0x3  }
0x9b: {  	_ =	strace s5  }
0x9c: {  	s5 =	sld [smem:$0x3FFD];
	_ =	sdelay $0x3  }
0x9d: {  	_ =	strace s5  }
0x9e: {  	_ =	strace $0x8FFFFFFF  }
0x9f: {  	s18 =	sld [smem:$0x3FDB];
	_ =	sdelay $0x1  }
0xa0: {  	s19 =	simm.s32 $_scs_section_size  }
0xa1: {  	s7 =	simm.s32 $_size__tile_overlayer_lowered;
	s8 =	simm.s32 $_tile_overlayer_lowered  }
0xa2: {  	s22 =	simm.s32 $0x1BFF;
	s21 =	sshll.u32 s8, $0x1;
	s5 =	sadd.s32 s19, s18  }
0xa3: {  	s9 =	simm.s32 $0x0;
	s20 =	sshll.u32 s7, $0x1;
	s7 =	sadd.s32 s21, s5  }
0xa4: {  	[timem:s9], [sflag:s22] =	dma.local [hbm:s7], s20  }
0xa5: {  	_ =	swait.ge [sflag:s22], s20  }
0xa6: {  	s6 =	ssub.s32 $0x0, s20;
	[sflag:s22] =	ssyncset.done $0x0  }
0xa7: {  	[sflag:s22] =	ssyncadd.s32 s6;
	_ =	sdelay $0x1  }
0xa8: {  	s23 =	simm.s32 $0x1B8B  }
0xa9: {  	_ =	swait.ge [sflag:s23], $0x1  }
0xaa: {  	[sflag:s23] =	ssyncset.done $0x0  }
0xab: {  	s25 =	simm.s32 $0x1B8E;
	s24 =	sld [smem:$0x3FFE];
	[sflag:s23] =	ssyncadd.s32 $0xFFFFFFFF  }
0xac: {  	s26 =	simm.s32 $execute0_lowered;
	[smem:$0x3FD2] =	sst s25  }
0xad: {  	s7 =	sshll.u32 s26, $0x1;
	_ =	strace $0x80000049;
	[dreg:$0x1] =	wrdreg $0xFFFFFFFF  }
0xae: {  	s28 =	simm.s32 $_size_execute0_lowered;
	s5 =	sadd.s32 s5, s7;
	[dreg:$0x0] =	wrdreg $0x0  }
0xaf: {  	s7 =	sshll.u32 s28, $0x1;
	[dreg:$0x2] =	wrdreg s5  }
0xb0: {  	[dreg:$0x3] =	wrdreg s7  }
0xb1: {  	[dreg:$0x4] =	wrdreg $0xC0  }
0xb2: {  	_ =	task [dreg:s9], $0x5FFFF  }
0xb3: {  	[dreg:$0x1] =	wrdreg $0xFFFFFFFF  }
0xb4: {  	[dreg:$0x0] =	wrdreg $0x60  }
0xb5: {  	[dreg:$0x2] =	wrdreg s15  }
0xb6: {  	[dreg:$0x3] =	wrdreg s4  }
0xb7: {  	[dreg:$0x4] =	wrdreg s24  }
0xb8: {  	[dreg:$0x5] =	wrdreg s16  }
0xb9: {  	[dreg:$0x6] =	wrdreg $0x9  }
0xba: {  	_ =	task.clear_ibuf [dreg:s9], $0x7FFFF;
	_ =	strace $0x90000049  }
0xbb: {  	s29 =	simm.s32 $0x9;
	_ =	strace $0x8000004B  }
0xbc: {  	_ =	swait.ge [sflag:s29], $0x1  }
0xbd: {  	[sflag:s29] =	ssyncadd.s32 $0xFFFFFFFF  }
0xbe: {  	_ =	strace $0x9000004B  }
0xbf: {  	_ =	sfence  }
0xc0: {  	s30 =	sld [smem:$0x0];
	_ =	sdelay $0x2  }
0xc1: {  	s31 =	sshll.u32 s1, $0xD;
	s1 =	sshrl.u32 s1, $0x2  }
0xc2: {  	s3 =	sand.u32 $0x4000, s31;
	s1 =	sadd.s32 s1, s30  }
0xc3: {  	s0 =	sor.u32 s3, s0;
	s1 =	sshll.u32 s1, $0x11  }
0xc4: {  	s0 =	sor.u32 s1, s0  }
0xc5: {  	s0 =	sadd.s32 $0x8F2B, s0  }
0xc6: {  	[sflag:s0] =	ssyncadd.remote.s32 $0x1  }
0xc7: {  	_ =	sfence.sel $0xFFFF  }
0xc8: {  	[dreg:$0x0] =	wrdreg $0xFFFFFFFF;
	(pc) =	sbr.abs _section_cstart, $3  }
0xc9: {  	[dreg:$0x1] =	wrdreg $0xFFFFFFFF  }
0xca: {  	_ =	task.clear_ibuf [dreg:s9], $0x2FFFF;
	_ =	strace $0x9FFFFFFF  }
0xcb: {  	(tm) =	ssettm $0x7FFFFFFF  }
tec
execute0_lowered:
.L_overlay_start_1:
0x0: {  	(tag) =	ssettag $0x1  }
0x1: {  	s1 =	rddreg [dreg:$0x0]  }
0x2: {  	s0 =	srdreg.scid;
	s2 =	rddreg [dreg:$0x1]  }
0x3: {  	s4 =	stileid.u32;
	s6 =	rddreg [dreg:$0x2]  }
0x4: {  	s7 =	rddreg [dreg:$0x3];
	s14 =	simm.s32 $0x400;
	s16 =	simm.s32 $0x600  }
0x5: {  	s17 =	simm.s32 $0x7A1400;
	s18 =	simm.s32 $0x0;
	s0 =	sand.u32 $0x1, s0  }
0x6: {  	s3 =	sshll.u32 s4, $0x1;
	s5 =	sshll.u32 s4, $0x7;
	s4 =	simm.s32 $0x0  }
0x7: {  	s10 =	sor.u32 s0, s3;
	[smem:$0x7FF] =	sst s4;
	s0 =	ssub.s32 $0x2, s0  }
0x8: {  	s8 =	sshll.u32 s10, $0x4;
	_ =	strace $0x8000004A;
	s11 =	sshll.u32 s10, $0xD  }
0x9: {  	s12 =	sshrl.u32 s0, $0x1;
	s13 =	sshll.u32 s10, $0x6;
	s31 =	sand.u32 $0xF, s10  }
.Ltmp0:
0xa: {  	v0 =	vlaneseq.u32;
	s5 =	sor.u32 s5, s8;
	s11 =	sadd.s32 s11, s6;
	(pc) =	sbr.rel .LBB2_1-.Ltmp0, $4  }
0xb: {  	v1 =	vmul.u32 $0x80, v0;
	s0 =	ssub.s32 s0, s12;
	s12 =	simm.s32 $0x8;
	s8 =	sand.u32 $0x670, s5  }
0xc: {  	s5 =	sadd.s32 $0x800, s6;
	s10 =	sadd.s32 $0x1200, s11;
	s11 =	smax.u32 s0, $0x1  }
0xd: {  	v3 =	vor.u32 $0x1000, v1;
	v2 =	vmov s31;
	s9 =	sadd.s32 s8, s6;
	s6 =	sadd.s32 s6, s13;
	s7 =	sadd.s32 s7, s8  }
0xe: {  	v4 =	vor.u32 $0x1800, v1;
	vm0 =	veq.s32 v2, v0;
	v2 =	vor.u32 $0x800, v1;
	s13 =	simm.s32 $0x80;
	s8 =	sadd.s32 $0xA00, s9;
	s9 =	sand.u32 $0x10, s3  }
.LBB2_15:
0xf: {  	s18 =	sadd.s32 $0x1, s18  }
0x10: {  	p0 =	sne.s32 s18, s11  }
.Ltmp1:
0x11: {  	_ = 	snop;
	(pc) =	sbr.rel @!p0 .LBB2_16-.Ltmp1, $1  }
0x12: {  	_ =	sdelay $0x3  }
.LBB2_1:
0x13: {  	[tilespmem:s4], [sflag:$0x8] =	stream.linear.gather [hbm4b:s6+s4], $0x200, $0x38;
	[tilespmem:$0x1E680] =	vst v63  }
0x14: {  	_ =	swait.ge [sflag:s12], $0x200  }
0x15: {  	[sflag:s12] =	ssyncset.done $0x0  }
0x16: {  	s0 =	simm.s32 $0x200;
	[sflag:s12] =	ssyncadd.s32 $0xFFFFFE00  }
0x17: {  	[tilespmem:s0], [sflag:$0x8] =	stream.strided.gather [hbm4b:s7+s13], $0x200, s14, s13, $0x38;
	[tilespmem:$0x1E680] =	vst v63  }
0x18: {  	_ =	swait.ge [sflag:s12], $0x200  }
0x19: {  	[sflag:s12] =	ssyncset.done $0x0  }
0x1a: {  	[sflag:s12] =	ssyncadd.s32 $0xFFFFFE00  }
0x1b: {  	[tilespmem:s14], [sflag:$0x8] =	stream.strided.gather [hbm4b:s8+s13], $0x200, s14, s13, $0x38;
	[tilespmem:$0x1E680] =	vst v63  }
0x1c: {  	_ =	swait.ge [sflag:s12], $0x200  }
0x1d: {  	[sflag:s12] =	ssyncset.done $0x0  }
0x1e: {  	[sflag:s12] =	ssyncadd.s32 $0xFFFFFE00  }
0x1f: {  	[tilespmem:s16], [sflag:$0x8] =	stream.linear.gather [hbm4b:s5+s4], $0x80, $0x38;
	[tilespmem:$0x1E680] =	vst v63  }
0x20: {  	_ =	swait.ge [sflag:s12], $0x80  }
0x21: {  	[sflag:s12] =	ssyncset.done $0x0  }
0x22: {  	[sflag:s12] =	ssyncadd.s32 $0xFFFFFF80  }
0x23: {  	v5 =	vld [tilespmem:s9+$0x600];
	_ =	sdelay $0x4  }
0x24: {  	v5 =	vnsel vm0, $0x0, v5  }
0x25: {  	(xrf0) =	vadd.scan.msk.s32 $0xffff, v5;
	_ =	sdelay $0x5  }
0x26: {  	v5, _, _ =	vpop (xrf0)  }
0x27: {  	(v2sf) =	vpush v5, $0xF;
	_ =	sdelay $0xa  }
.Ltmp2:
0x28: {  	_ = 	snop;
	(pc) =	sbr.rel .LBB2_2-.Ltmp2, $3  }
0x29: {  	_ =	sdelay $0x1  }
0x2a: {  	s21 =	simm.s32 $0x0  }
0x2b: {  	s22 =	simm.s32 $0x0;
	s20 =	simm.s32 $0x0;
	s19 =	spop (v2sf)  }
.LBB2_8:
0x2c: {  	s28 =	smov.u32 s21  }
.LBB2_13:
0x2d: {  	s3 =	sshra.s32 s28, $0x1F  }
0x2e: {  	s3 =	smul.u32 $0x92492493, s3  }
0x2f: {  	s0 =	ssub.s32 @p0 s29, s0;
	s15 =	ssub.s32 s31, s28  }
0x30: {  	p2 =	slt.s32 @p0 s0, $0x0;
	s3 =	sadd.s32 s3, s15  }
0x31: {  	p2 =	por !p2, !p0;
	s15 =	sadd.s32 @p0 $0x7, s0;
	s3 =	sadd.s32 s28, s3  }
0x32: {  	s15 =	smov.u32 @p2 s0;
	s31 =	sshrl.u32 s3, $0x1F;
	s3 =	sshra.s32 s3, $0x2  }
0x33: {  	[sflag:s30] =	ssyncadd.s32 @p1 $0xFFFFE000;
	s15 =	sadd.s32 @p0 $0x1, s15;
	s0 =	sadd.s32 s31, s3  }
0x34: {  	_ =	swait.ge @p0 [sflag:s15], $0x2000;
	s0 =	smul.u32 $0x7, s0  }
0x35: {  	[sflag:s15] =	ssyncset.done @p0 $0x0  }
0x36: {  	[sflag:s15] =	ssyncadd.s32 @p0 $0xFFFFE000;
	s0 =	ssub.s32 s28, s0  }
0x37: {  	_ =	swait.ge @p0 [sflag:s15], $0x2000;
	p1 =	slt.s32 s0, $0x0;
	s3 =	sadd.s32 $0x7, s0  }
0x38: {  	[sflag:s15] =	ssyncset.done @p0 $0x0;
	s15 =	smov.u32 @p0 s15;
	s0 =	smov.u32 @p1 s3  }
0x39: {  	[sflag:s15] =	ssyncadd.s32 @p0 $0xFFFFE000;
	s0 =	sadd.s32 $0x1, s0  }
0x3a: {  	_ =	swait.ge [sflag:s0], $0x2000  }
0x3b: {  	[sflag:s0] =	ssyncset.done $0x0  }
0x3c: {  	[sflag:s0] =	ssyncadd.s32 $0xFFFFE000  }
0x3d: {  	_ =	swait.ge [sflag:s0], $0x2000  }
0x3e: {  	[sflag:s0] =	ssyncset.done $0x0  }
0x3f: {  	[sflag:s0] =	ssyncadd.s32 $0xFFFFE000  }
.LBB2_14:
0x40: {  	v5 =	vld [tilespmem:s25+$0x0];
	_ =	sdelay $0x4  }
0x41: {  	v5 =	vnsel vm1, $0x0, v5  }
0x42: {  	(xrf0) =	vadd.scan.msk.s32 $0xffff, v5;
	_ =	sdelay $0x5  }
0x43: {  	v5, _, _ =	vpop (xrf0)  }
0x44: {  	(v2sf) =	vpush v5, $0xF;
	_ =	sdelay $0x7  }
0x45: {  	s0 =	smulhi.u32 $0x92492493, s24;
	s3 =	sshra.s32 s24, $0x1F  }
0x46: {  	s3 =	smul.u32 $0x92492493, s3  }
0x47: {  	s0 =	ssub.s32 s0, s24  }
0x48: {  	s0 =	sadd.s32 s3, s0  }
0x49: {  	s0 =	sadd.s32 s24, s0  }
0x4a: {  	s25 =	sshrl.u32 s0, $0x1F;
	s0 =	sshra.s32 s0, $0x2  }
0x4b: {  	s0 =	sadd.s32 s25, s0  }
0x4c: {  	s0 =	smul.u32 $0x7, s0;
	s28 =	spop (v2sf)  }
0x4d: {  	s3 =	sand.u32 $0x7F, s28  }
0x4e: {  	s0 =	ssub.s32 s24, s0;
	v5 =	vor.u32 s3, v1  }
0x4f: {  	s15 =	sshll.u32 s0, $0xE  }
0x50: {  	p0 =	slt.s32 s0, $0x0;
	s0 =	sadd.s32 $0x1C000, s15  }
0x51: {  	s15 =	smov.u32 @p0 s0  }
0x52: {  	s0 =	sor.u32 $0x680, s15  }
0x53: {  	v6 =	vld.idx.msk [tilespmem:v5+s0+$0x0], $0xffff  }
0x54: {  	v7 =	vor.u32 s3, v2;
	_ =	sdelay $0x1  }
0x55: {  	s29 =	sand.u32 $0x3F, s20  }
0x56: {  	s30 =	sshll.u32 s29, $0x7  }
0x57: {  	[tilespmem:s30+$0x1C680] =	vst v6  }
0x58: {  	v6 =	vld.idx.msk [tilespmem:v7+s0+$0x0], $0xffff  }
0x59: {  	v8 =	vor.u32 s3, v3;
	_ =	sdelay $0x3  }
0x5a: {  	[tilespmem:s30+$0x1C690] =	vst v6  }
0x5b: {  	v6 =	vld.idx.msk [tilespmem:v8+s0+$0x0], $0xffff  }
0x5c: {  	v9 =	vor.u32 s3, v4;
	_ =	sdelay $0x3  }
0x5d: {  	[tilespmem:s30+$0x1C6A0] =	vst v6  }
0x5e: {  	v6 =	vld.idx.msk [tilespmem:v9+s0+$0x0], $0xffff;
	_ =	sdelay $0x4  }
0x5f: {  	s31 =	sor.u32 $0x2680, s15;
	[tilespmem:s30+$0x1C6B0] =	vst v6  }
0x60: {  	v5 =	vld.idx.msk [tilespmem:v5+s31+$0x0], $0xffff;
	_ =	sdelay $0x4  }
0x61: {  	[tilespmem:s30+$0x1C6C0] =	vst v5  }
0x62: {  	v5 =	vld.idx.msk [tilespmem:v7+s31+$0x0], $0xffff;
	_ =	sdelay $0x4  }
0x63: {  	[tilespmem:s30+$0x1C6D0] =	vst v5  }
0x64: {  	v5 =	vld.idx.msk [tilespmem:v8+s31+$0x0], $0xffff;
	_ =	sdelay $0x4  }
0x65: {  	[tilespmem:s30+$0x1C6E0] =	vst v5  }
0x66: {  	v5 =	vld.idx.msk [tilespmem:v9+s31+$0x0], $0xffff  }
0x67: {  	p1 =	sgt.s32 s22, s23  }
0x68: {  	s23 =	smov.u32 @p1 s22;
	p1 =	sgt.s32 s21, s26;
	p0 =	sne.s32 s29, $0x3F  }
0x69: {  	s26 =	smov.u32 @p1 s21;
	s0 =	sshll.u32 @!p0 s20, $0x4  }
0x6a: {  	s15 =	simm.s32 @!p0 $0x1C680;
	s20 =	sadd.s32 $0x1, s20;
	s0 =	sand.u32 @!p0 $0x1C00, s0  }
0x6b: {  	s3 =	simm.s32 @!p0 $0x0;
	p1 =	sne.s32 s20, $0x200;
	s0 =	sadd.s32 @!p0 s0, s10;
	[tilespmem:s30+$0x1C6F0] =	vst v5  }
0x6c: {  	[hbm4b:s0+s3] =	stream.linear.scatter @!p0 [tilespmem:s15], [sflag:$0x8], $0x2000, $0x38;
	[tilespmem:$0x1E680] =	vst v63  }
.Ltmp3:
0x6d: {  	_ = 	snop;
	(pc) =	sbr.rel @!p1 .LBB2_15-.Ltmp3, $4  }
0x6e: {  	s0 =	simm.s32 @!p0 $0x8  }
0x6f: {  	_ =	swait.ge @!p0 [sflag:s0], $0x2000  }
0x70: {  	[sflag:s0] =	ssyncset.done @!p0 $0x0  }
0x71: {  	s22 =	smov.u32 s23;
	s21 =	smov.u32 s26;
	[sflag:s0] =	ssyncadd.s32 @!p0 $0xFFFFE000  }
.LBB2_2:
0x72: {  	s25 =	sand.u32 $0x1F0, s20  }
0x73: {  	v5 =	vld [tilespmem:s25+$0x200];
	_ =	sdelay $0x1  }
0x74: {  	s0 =	sand.u32 $0xF, s20  }
0x75: {  	v6 =	vmov s0  }
0x76: {  	vm1 =	veq.s32 v6, v0  }
0x77: {  	v5 =	vnsel vm1, $0x0, v5  }
0x78: {  	(xrf0) =	vadd.scan.msk.s32 $0xffff, v5;
	_ =	sdelay $0x5  }
0x79: {  	v5, _, _ =	vpop (xrf0)  }
0x7a: {  	(v2sf) =	vpush v5, $0xF;
	_ =	sdelay $0xe  }
0x7b: {  	s24 =	spop (v2sf)  }
0x7c: {  	s23 =	sadd.s32 $0x6, s24  }
0x7d: {  	p0 =	slt.s32 s19, s23  }
0x7e: {  	s23 =	smov.u32 @p0 s19  }
0x7f: {  	s31 =	ssub.s32 s23, s22  }
0x80: {  	p0 =	slt.s32 s31, $0x1  }
.Ltmp4:
0x81: {  	_ = 	snop;
	(pc) =	sbr.rel @p0 .LBB2_6-.Ltmp4, $1  }
0x82: {  	_ =	sdelay $0x3  }
0x83: {  	s0 =	sand.u32 $0xFFFFFFF0, s22  }
0x84: {  	v5 =	vld [tilespmem:s0+$0x400];
	_ =	sdelay $0x1  }
0x85: {  	s15 =	sand.u32 $0xF, s22  }
0x86: {  	v6 =	vmov s15  }
0x87: {  	vm2 =	veq.s32 v6, v0  }
0x88: {  	v5 =	vnsel vm2, $0x0, v5  }
0x89: {  	(xrf0) =	vadd.scan.msk.s32 $0xffff, v5;
	_ =	sdelay $0x5  }
0x8a: {  	v5, _, _ =	vpop (xrf0)  }
0x8b: {  	(v2sf) =	vpush v5, $0xF;
	_ =	sdelay $0x2  }
0x8c: {  	s26 =	smulhi.u32 $0x92492493, s22;
	s3 =	sshra.s32 s22, $0x1F  }
0x8d: {  	s3 =	smul.u32 $0x92492493, s3  }
0x8e: {  	s0 =	ssub.s32 s26, s22  }
0x8f: {  	s0 =	sadd.s32 s3, s0  }
0x90: {  	s0 =	sadd.s32 s22, s0  }
0x91: {  	s29 =	sshrl.u32 s0, $0x1F;
	s0 =	sshra.s32 s0, $0x2  }
0x92: {  	s0 =	sadd.s32 s29, s0  }
0x93: {  	s0 =	smul.u32 $0x7, s0;
	_ =	sdelay $0x1  }
0x94: {  	s0 =	ssub.s32 s22, s0  }
0x95: {  	s26 =	sadd.s32 $0x1, s22;
	p0 =	slt.s32 s0, $0x0;
	s3 =	sadd.s32 $0x7, s0  }
0x96: {  	s0 =	smov.u32 @p0 s3;
	p0 =	sne.s32 s23, s26  }
.Ltmp5:
0x97: {  	s30 =	spop (v2sf);
	(pc) =	sbr.rel @!p0 .LBB2_5-.Ltmp5, $4  }
0x98: {  	s28 =	sshll.u32 s0, $0x10;
	s29 =	sshll.u32 s30, $0x7  }
0x99: {  	s0 =	sadd.s32 $0x1, s0;
	s3 =	sshra.s32 s28, $0x2;
	s28 =	sand.u32 $0x1FFFFF80, s29  }
0x9a: {  	s31 =	sor.u32 $0x680, s3;
	s30 =	sadd.s32 s1, s28;
	s28 =	sadd.s32 s2, s28  }
0x9b: {  	[tilespmem:s31], [sflag:s0] =	stream.strided.gather [hbm4b:s30+s14], $0x2000, s17, s14, $0x38;
	[tilespmem:$0x1E680] =	vst v63  }
.LBB2_4:
0x9c: {  	s29 =	sand.u32 $0xFFFFFFF0, s26;
	s3 =	sor.u32 $0x2680, s3;
	s30 =	smov.u32 s26  }
0x9d: {  	[tilespmem:s3], [sflag:s0] =	stream.strided.gather [hbm4b:s28+s14], $0x2000, s17, s14, $0x38;
	[tilespmem:$0x1E680] =	vst v63  }
0x9e: {  	s26 =	sadd.s32 $0x1, s26;
	v5 =	vld [tilespmem:s29+$0x400]  }
0x9f: {  	p0 =	sne.s32 s23, s26  }
0xa0: {  	s0 =	sand.u32 $0xF, s30  }
0xa1: {  	v6 =	vmov s0  }
0xa2: {  	vm2 =	veq.s32 v6, v0  }
0xa3: {  	v5 =	vnsel vm2, $0x0, v5  }
0xa4: {  	(xrf0) =	vadd.scan.msk.s32 $0xffff, v5;
	_ =	sdelay $0x5  }
0xa5: {  	v5, _, _ =	vpop (xrf0)  }
0xa6: {  	(v2sf) =	vpush v5, $0xF;
	_ =	sdelay $0x3  }
0xa7: {  	s3 =	sshra.s32 s30, $0x1F;
	s0 =	smulhi.u32 $0x92492493, s30  }
0xa8: {  	s3 =	smul.u32 $0x92492493, s3  }
0xa9: {  	s0 =	ssub.s32 s0, s30  }
0xaa: {  	s0 =	sadd.s32 s3, s0  }
0xab: {  	s0 =	sadd.s32 s30, s0  }
0xac: {  	s3 =	sshrl.u32 s0, $0x1F;
	s0 =	sshra.s32 s0, $0x2  }
0xad: {  	s0 =	sadd.s32 s3, s0  }
0xae: {  	s0 =	smul.u32 $0x7, s0;
	_ =	sdelay $0x1  }
0xaf: {  	s0 =	ssub.s32 s30, s0  }
0xb0: {  	p1 =	slt.s32 s0, $0x0;
	s3 =	sadd.s32 $0x7, s0  }
.Ltmp6:
0xb1: {  	s0 =	smov.u32 @p1 s3;
	s3 =	spop (v2sf);
	(pc) =	sbr.rel @p0 .LBB2_4-.Ltmp6, $4  }
0xb2: {  	s28 =	sshll.u32 s0, $0x10;
	s29 =	sshll.u32 s3, $0x7  }
0xb3: {  	s0 =	sadd.s32 $0x1, s0;
	s3 =	sshra.s32 s28, $0x2;
	s28 =	sand.u32 $0x1FFFFF80, s29  }
0xb4: {  	s29 =	sor.u32 $0x680, s3;
	s30 =	sadd.s32 s1, s28;
	s28 =	sadd.s32 s2, s28  }
0xb5: {  	[tilespmem:s29], [sflag:s0] =	stream.strided.gather [hbm4b:s30+s14], $0x2000, s17, s14, $0x38;
	[tilespmem:$0x1E680] =	vst v63  }
.LBB2_5:
0xb6: {  	s3 =	sor.u32 $0x2680, s3  }
0xb7: {  	[tilespmem:s3], [sflag:s0] =	stream.strided.gather [hbm4b:s28+s14], $0x2000, s17, s14, $0x38;
	[tilespmem:$0x1E680] =	vst v63  }
.LBB2_6:
0xb8: {  	s26 =	sadd.s32 $0x1, s24  }
0xb9: {  	s0 =	ssub.s32 s26, s21  }
0xba: {  	p0 =	slt.s32 s0, $0x1  }
.Ltmp7:
0xbb: {  	_ = 	snop;
	(pc) =	sbr.rel @p0 .LBB2_14-.Ltmp7, $1  }
0xbc: {  	_ =	sdelay $0x3  }
0xbd: {  	s29 =	sadd.s32 $0x1, s21  }
0xbe: {  	p2 =	sne.s32 s26, s29  }
.Ltmp8:
0xbf: {  	_ = 	snop;
	(pc) =	sbr.rel @!p2 .LBB2_8-.Ltmp8, $2  }
0xc0: {  	_ =	sdelay $0x2  }
0xc1: {  	s31 =	smulhi.u32 $0x92492493, s21;
	p0 =	por $0x0, $0x0;
	p1 =	por $0x0, $0x0  }
0xc2: {  	s0 =	sshra.s32 s21, $0x1F  }
0xc3: {  	s28 =	sadd.s32 $0x1, s29;
	s0 =	smul.u32 $0x92492493, s0  }
0xc4: {  	s3 =	ssub.s32 s31, s21;
	p2 =	sne.s32 s26, s28  }
.Ltmp9:
0xc5: {  	s0 =	sadd.s32 s0, s3;
	(pc) =	sbr.rel @!p2 .LBB2_10-.Ltmp9, $4  }
0xc6: {  	s0 =	sadd.s32 s21, s0  }
0xc7: {  	s30 =	sshrl.u32 s0, $0x1F;
	s0 =	sshra.s32 s0, $0x2  }
0xc8: {  	s31 =	smulhi.u32 $0x92492493, s29;
	s0 =	sadd.s32 s30, s0  }
0xc9: {  	p0 =	por $0x1, $0x1;
	s0 =	smul.u32 $0x7, s0  }
0xca: {  	s3 =	sshra.s32 s29, $0x1F  }
0xcb: {  	s3 =	smul.u32 $0x92492493, s3  }
0xcc: {  	s31 =	ssub.s32 s31, s29;
	s0 =	ssub.s32 s21, s0  }
0xcd: {  	p1 =	slt.s32 s0, $0x0;
	s30 =	sadd.s32 $0x7, s0;
	s3 =	sadd.s32 s3, s31  }
0xce: {  	s0 =	smov.u32 @p1 s30;
	s15 =	sadd.s32 s29, s3;
	s3 =	sadd.s32 $0x1, s28  }
0xcf: {  	s30 =	sadd.s32 $0x1, s0;
	p2 =	sne.s32 s26, s3  }
.Ltmp10:
0xd0: {  	_ =	swait.ge [sflag:s30], $0x2000;
	(pc) =	sbr.rel @!p2 .LBB2_13-.Ltmp10, $4  }
0xd1: {  	s31 =	sshrl.u32 s15, $0x1F;
	s0 =	sshra.s32 s15, $0x2;
	[sflag:s30] =	ssyncset.done $0x0  }
0xd2: {  	s0 =	sadd.s32 s31, s0;
	[sflag:s30] =	ssyncadd.s32 $0xFFFFE000  }
0xd3: {  	s0 =	smul.u32 $0x7, s0;
	_ =	swait.ge [sflag:s30], $0x2000  }
0xd4: {  	p1 =	por $0x1, $0x1;
	s31 =	smulhi.u32 $0x92492493, s28;
	[sflag:s30] =	ssyncset.done $0x0  }
.LBB2_12:
0xd5: {  	s15 =	sshra.s32 s28, $0x1F;
	s0 =	ssub.s32 s29, s0  }
0xd6: {  	[sflag:s30] =	ssyncadd.s32 $0xFFFFE000;
	s29 =	smov.u32 s28;
	s28 =	smov.u32 s3  }
0xd7: {  	s15 =	smul.u32 $0x92492493, s15;
	p2 =	slt.s32 s0, $0x0;
	s30 =	sadd.s32 $0x7, s0  }
0xd8: {  	s3 =	sadd.s32 $0x1, s3;
	s31 =	ssub.s32 s31, s29;
	s0 =	smov.u32 @p2 s30  }
0xd9: {  	p2 =	sne.s32 s26, s3;
	s15 =	sadd.s32 s15, s31;
	s30 =	sadd.s32 $0x1, s0  }
.Ltmp11:
0xda: {  	s0 =	sadd.s32 s29, s15;
	_ =	swait.ge [sflag:s30], $0x2000;
	(pc) =	sbr.rel @p2 .LBB2_12-.Ltmp11, $4  }
0xdb: {  	s15 =	sshrl.u32 s0, $0x1F;
	s0 =	sshra.s32 s0, $0x2;
	[sflag:s30] =	ssyncset.done $0x0  }
0xdc: {  	s0 =	sadd.s32 s15, s0;
	[sflag:s30] =	ssyncadd.s32 $0xFFFFE000  }
0xdd: {  	s0 =	smul.u32 $0x7, s0;
	_ =	swait.ge [sflag:s30], $0x2000  }
0xde: {  	s31 =	smulhi.u32 $0x92492493, s28;
	[sflag:s30] =	ssyncset.done $0x0  }
.Ltmp12:
0xdf: {  	_ = 	snop;
	(pc) =	sbr.rel .LBB2_13-.Ltmp12, $1  }
0xe0: {  	_ =	sdelay $0x3  }
.LBB2_10:
.Ltmp13:
0xe1: {  	(pc) =	sbr.rel .LBB2_13-.Ltmp13, $2  }
0xe2: {  	_ =	sdelay $0x2  }
0xe3: {  	s28 =	smov.u32 s29;
	s29 =	smov.u32 s21  }
.LBB2_16:
0xe4: {  	_ =	sfence.sel $0x180000  }
0xe5: {  	[bflag:$0x0] =	sbarrier.arrive $0xFFFF  }
0xe6: {  	_ =	strace $0x9000004A  }
0xe7: {  	s0 =	stileid.u32;
	[bflag:$0x2] =	sbarrier.arrive $0xFFFF  }
0xe8: {  	p0 =	sne.s32 s0, $0x0;
	s0 =	rddreg [dreg:$0x4]  }
0xe9: {  	s0 =	sadd.s32 @!p0 $0x100000, s0  }
0xea: {  	[sflag:s0] =	ssyncadd.tile.s32 @!p0 $0x1;
	_ =	shalt  }
.Lfunc_end2:
_tile_overlayer_lowered:
.L_overlay_start_2:
0xeb: {  	(tag) =	ssettag $0x2  }
0xec: {  	s0 =	rddreg [dreg:$0x0];
	s2 =	stileid.u32  }
0xed: {  	s1 =	rddreg [dreg:$0x1];
	p0 =	sne.s32 s2, $0x0  }
0xee: {  	s3 =	rddreg [dreg:$0x2];
	[bflag:$0x3] =	sbarrier.arrive $0xFFFF;
	s2 =	simm.s32 @!p0 $0x1C08  }
0xef: {  	[timem:s3], [sflag:s2] =	dma.local @!p0 [hbm:s0], s1  }
0xf0: {  	s0 =	simm.s32 @!p0 $0x8  }
0xf1: {  	_ =	swait.ge @!p0 [sflag:s0], s1  }
0xf2: {  	s1 =	ssub.s32 @!p0 $0x0, s1;
	[sflag:s0] =	ssyncset.done @!p0 $0x0  }
0xf3: {  	[sflag:s0] =	ssyncadd.s32 @!p0 s1  }
0xf4: {  	[bflag:$0x3] =	sbarrier.arrive $0xFFFF  }
0xf5: {  	_ =	shalt  }

// kernel: kernel.7.cloned.1.call-start
scs
__scs_entry_jumppad:
0x0: {  	(pc) =	sbr.rel $0x88, $3  }
0x1: {  	(tag) =	ssettag $0x0;
	lr =	simm.s32 $0x1  }
0x2: {  	[smem:$0x3F9E] =	sst lr;
	_ =	strace $0xD0000000  }
0x3: {  	_ = 	snop  }
0x4: {  	_ = 	snop  }
0x5: {  	_ = 	snop  }
0x6: {  	_ = 	snop  }
0x7: {  	_ = 	snop  }
__scs_overlays_trampoline_lowered:
0x8: {  	[smem:$0x3FAD] =	sst s0  }
0x9: {  	[smem:$0x3FAE] =	sst s1  }
0xa: {  	[smem:$0x3FAF] =	sst s2  }
0xb: {  	[smem:$0x3FB0] =	sst s3  }
0xc: {  	[smem:$0x3FB1] =	sst s4  }
0xd: {  	[smem:$0x3FB2] =	sst s5  }
0xe: {  	[smem:$0x3FB3] =	sst s6  }
0xf: {  	[smem:$0x3FB4] =	sst s7  }
0x10: {  	[smem:$0x3FB5] =	sst s8  }
0x11: {  	[smem:$0x3FB6] =	sst s9;
	s0 =	simm.s32 @!p0 $0x0  }
0x12: {  	s1 =	sld [smem:$0x3F9C];
	s0 =	simm.s32 @p0 $0x1  }
0x13: {  	[smem:$0x3FB7] =	sst s0;
	s0 =	simm.s32 @!p1 $0x0  }
0x14: {  	s2 =	sld [smem:$0x3F9B];
	s0 =	simm.s32 @p1 $0x1  }
0x15: {  	[smem:$0x3FB8] =	sst s0;
	s0 =	simm.s32 @!p2 $0x0  }
0x16: {  	s3 =	sld [smem:$0x3FDB];
	s0 =	simm.s32 @p2 $0x1  }
0x17: {  	s4 =	simm.s32 $0x1BF5;
	[smem:$0x3FBA] =	sst s0  }
0x18: {  	s0 =	sld [smem:$0x3F9D];
	_ =	swait.ge [sflag:s4], $0x0  }
0x19: {  	s7 =	sld [smem:$0x3F9E]  }
0x1a: {  	s8 =	sadd.s32 $0xFFFFE003, lr  }
0x1b: {  	s9 =	sadd.s32 $0xFFFFFEF7, lr;
	s5 =	simm.s32 $0xFFFFFFFF;
	p2 =	slt.u32 s8, $0xFFFFF086  }
0x1c: {  	p1 =	slt.u32 s9, $0xF7A;
	s5 =	simm.s32 @!p2 $0x0  }
0x1d: {  	s5 =	simm.s32 @p1 $0x1;
	p0 =	seq.s32 s7, s2  }
0x1e: {  	s7 =	smul.u32 @!p0 $0xF7A, s2;
	p2 =	seq.s32 @!p0 s5, $0x0  }
0x1f: {  	s9 =	smul.u32 $0xF7A, s1;
	s8 =	simm.s32 @!p0 $0x1BF5;
	p2 =	por !p2, p0  }
0x20: {  	[sflag:s8] =	ssyncset.s32 @!p0 $0xFFFFF086;
	s6 =	sadd.s32 @!p0 s3, s7;
	s7 =	simm.s32 @!p0 $0x108  }
0x21: {  	s3 =	sadd.s32 s3, s9;
	s6 =	sadd.s32 @!p0 $0x88, s6;
	s7 =	simm.s32 @p2 $0x1082  }
0x22: {  	[simem:s7], [sflag:s8] =	dma.local @!p0 [hbm:s6], $0xF7A  }
0x23: {  	s9 =	sor.u32 $0xD0000000, s2;
	s6 =	simm.s32 $0x108;
	_ =	swait.ge @!p0 [sflag:s8], $0x0  }
0x24: {  	s3 =	sadd.s32 $0x88, s3;
	s6 =	simm.s32 @!p1 $0x1082;
	[sflag:s4] =	ssyncset.s32 $0xFFFFF086  }
0x25: {  	[simem:s6], [sflag:s4] =	dma.local [hbm:s3], $0xF7A  }
0x26: {  	[smem:$0x3F9E] =	sst s1;
	(tag) =	ssettag s2;
	_ =	strace s9  }
0x27: {  	s1 =	sld [smem:$0x3FAE]  }
0x28: {  	s2 =	sld [smem:$0x3FAF]  }
0x29: {  	s4 =	sld [smem:$0x3FB1]  }
0x2a: {  	p0 =	seq.s32 s5, $0x0;
	s5 =	sld [smem:$0x3FB2]  }
0x2b: {  	s6 =	sld [smem:$0x3FB3]  }
0x2c: {  	s7 =	sld [smem:$0x3FB4]  }
0x2d: {  	s3 =	simm.s32 $0x108;
	s8 =	sld [smem:$0x3FB5]  }
0x2e: {  	s3 =	simm.s32 @!p0 $0x1082;
	s9 =	sld [smem:$0x3FB6]  }
0x2f: {  	lr =	sadd.s32 s0, s3;
	s0 =	sld [smem:$0x3FAD]  }
0x30: {  	s3 =	sld [smem:$0x3FB0]  }
0x31: {  	[smem:$0x3FB9] =	sst s10  }
0x32: {  	s10 =	sld [smem:$0x3FB7];
	_ =	sdelay $0x3  }
0x33: {  	p0 =	seq.s32 s10, $0x1;
	s10 =	sld [smem:$0x3FB9];
	_ =	sdelay $0x3  }
0x34: {  	[smem:$0x3FB9] =	sst s10  }
0x35: {  	s10 =	sld [smem:$0x3FB8];
	_ =	sdelay $0x3  }
0x36: {  	p1 =	seq.s32 s10, $0x1;
	s10 =	sld [smem:$0x3FB9];
	_ =	sdelay $0x3  }
0x37: {  	[smem:$0x3FB9] =	sst s10  }
0x38: {  	s10 =	sld [smem:$0x3FBA]  }
0x39: {  	_ = 	snop;
	(pc) =	sbr.ind lr, $3  }
0x3a: {  	_ = 	snop  }
0x3b: {  	_ = 	snop  }
0x3c: {  	p2 =	seq.s32 s10, $0x1;
	s10 =	sld [smem:$0x3FB9]  }
0x3d: {  	_ =	shalt  }
0x3e: {  	_ =	shalt  }
0x3f: {  	_ =	shalt  }
0x40: {  	_ =	shalt  }
0x41: {  	_ =	shalt  }
0x42: {  	_ =	shalt  }
0x43: {  	_ =	shalt  }
0x44: {  	_ =	shalt  }
0x45: {  	_ =	shalt  }
0x46: {  	_ =	shalt  }
0x47: {  	_ =	shalt  }
0x48: {  	_ =	shalt  }
0x49: {  	_ =	shalt  }
0x4a: {  	_ =	shalt  }
0x4b: {  	_ =	shalt  }
0x4c: {  	_ =	shalt  }
0x4d: {  	_ =	shalt  }
0x4e: {  	_ =	shalt  }
0x4f: {  	_ =	shalt  }
0x50: {  	_ =	shalt  }
0x51: {  	_ =	shalt  }
0x52: {  	_ =	shalt  }
0x53: {  	_ =	shalt  }
0x54: {  	_ =	shalt  }
0x55: {  	_ =	shalt  }
0x56: {  	_ =	shalt  }
0x57: {  	_ =	shalt  }
0x58: {  	_ =	shalt  }
0x59: {  	_ =	shalt  }
0x5a: {  	_ =	shalt  }
0x5b: {  	_ =	shalt  }
0x5c: {  	_ =	shalt  }
0x5d: {  	_ =	shalt  }
0x5e: {  	_ =	shalt  }
0x5f: {  	_ =	shalt  }
0x60: {  	_ =	shalt  }
0x61: {  	_ =	shalt  }
0x62: {  	_ =	shalt  }
0x63: {  	_ =	shalt  }
0x64: {  	_ =	shalt  }
0x65: {  	_ =	shalt  }
0x66: {  	_ =	shalt  }
0x67: {  	_ =	shalt  }
0x68: {  	_ =	shalt  }
0x69: {  	_ =	shalt  }
0x6a: {  	_ =	shalt  }
0x6b: {  	_ =	shalt  }
0x6c: {  	_ =	shalt  }
0x6d: {  	_ =	shalt  }
0x6e: {  	_ =	shalt  }
0x6f: {  	_ =	shalt  }
0x70: {  	_ =	shalt  }
0x71: {  	_ =	shalt  }
0x72: {  	_ =	shalt  }
0x73: {  	_ =	shalt  }
0x74: {  	_ =	shalt  }
0x75: {  	_ =	shalt  }
0x76: {  	_ =	shalt  }
0x77: {  	_ =	shalt  }
0x78: {  	_ =	shalt  }
0x79: {  	_ =	shalt  }
0x7a: {  	_ =	shalt  }
0x7b: {  	_ =	shalt  }
0x7c: {  	_ =	shalt  }
0x7d: {  	_ =	shalt  }
0x7e: {  	_ =	shalt  }
0x7f: {  	_ =	shalt  }
0x80: {  	_ =	shalt  }
0x81: {  	_ =	shalt  }
0x82: {  	_ =	shalt  }
0x83: {  	_ =	shalt  }
0x84: {  	_ =	shalt  }
0x85: {  	_ =	shalt  }
0x86: {  	_ =	shalt  }
0x87: {  	_ =	shalt  }
.Lfunc_end0:
.L_simem_size_0:
called_computation.2_lowered:
.L_overlay_start_0:
0x88: {  	s2 =	sld [smem:$0x3FD9]  }
0x89: {  	s3 =	sld [smem:$0x3FFE];
	_ =	sdelay $0x1  }
0x8a: {  	s1 =	srdreg.scid  }
0x8b: {  	s0 =	sand.u32 $0x1, s1  }
0x8c: {  	s16 =	sshll.u32 s0, $0xA;
	s2 =	sadd.s32 s3, s2  }
0x8d: {  	s2 =	sadd.s32 s2, s16  }
0x8e: {  	[smem:$0x3FC5] =	sst s2  }
0x8f: {  	_ = 	snop  }
0x90: {  	(tm) =	ssettm $0x1  }
0x91: {  	s17 =	sld [smem:$0x3FFB];
	_ =	sdelay $0x3  }
0x92: {  	_ =	strace s17  }
0x93: {  	s2 =	sld [smem:$0x3FFC];
	_ =	sdelay $0x3  }
0x94: {  	_ =	strace s2  }
0x95: {  	s2 =	sld [smem:$0x3FFD];
	_ =	sdelay $0x3  }
0x96: {  	_ =	strace s2  }
0x97: {  	_ =	strace $0x8FFFFFFF  }
0x98: {  	s18 =	sld [smem:$0x3FDB];
	_ =	sdelay $0x1  }
0x99: {  	s19 =	simm.s32 $_scs_section_size  }
0x9a: {  	s4 =	simm.s32 $_size__tile_overlayer_lowered;
	s5 =	simm.s32 $_tile_overlayer_lowered  }
0x9b: {  	s22 =	simm.s32 $0x1BFF;
	s21 =	sshll.u32 s5, $0x1;
	s2 =	sadd.s32 s19, s18  }
0x9c: {  	s6 =	simm.s32 $0x0;
	s20 =	sshll.u32 s4, $0x1;
	s4 =	sadd.s32 s21, s2  }
0x9d: {  	[timem:s6], [sflag:s22] =	dma.local [hbm:s4], s20  }
0x9e: {  	_ =	swait.ge [sflag:s22], s20  }
0x9f: {  	s3 =	ssub.s32 $0x0, s20;
	[sflag:s22] =	ssyncset.done $0x0  }
0xa0: {  	[sflag:s22] =	ssyncadd.s32 s3;
	_ =	sdelay $0x1  }
0xa1: {  	s23 =	simm.s32 $0x1B8B  }
0xa2: {  	_ =	swait.ge [sflag:s23], $0x1  }
0xa3: {  	[sflag:s23] =	ssyncset.done $0x0  }
0xa4: {  	s25 =	simm.s32 $0x1B8E;
	s24 =	sld [smem:$0x3FFE];
	[sflag:s23] =	ssyncadd.s32 $0xFFFFFFFF  }
0xa5: {  	s26 =	simm.s32 $execute0_lowered;
	[smem:$0x3FD2] =	sst s25  }
0xa6: {  	s4 =	sshll.u32 s26, $0x1;
	_ =	strace $0x8000004C;
	[dreg:$0x1] =	wrdreg $0xFFFFFFFF  }
0xa7: {  	s28 =	simm.s32 $_size_execute0_lowered;
	s2 =	sadd.s32 s2, s4;
	[dreg:$0x0] =	wrdreg $0x0  }
0xa8: {  	s4 =	sshll.u32 s28, $0x1;
	[dreg:$0x2] =	wrdreg s2  }
0xa9: {  	[dreg:$0x3] =	wrdreg s4  }
0xaa: {  	[dreg:$0x4] =	wrdreg $0xC0  }
0xab: {  	_ =	task [dreg:s6], $0x5FFFF  }
0xac: {  	[dreg:$0x1] =	wrdreg $0xFFFFFFFF  }
0xad: {  	[dreg:$0x0] =	wrdreg $0x60  }
0xae: {  	[dreg:$0x2] =	wrdreg s24  }
0xaf: {  	[dreg:$0x3] =	wrdreg $0x9  }
0xb0: {  	_ =	task.clear_ibuf [dreg:s6], $0x4FFFF;
	_ =	strace $0x9000004C  }
0xb1: {  	s29 =	simm.s32 $0x9;
	_ =	strace $0x8000004E  }
0xb2: {  	_ =	swait.ge [sflag:s29], $0x1  }
0xb3: {  	[sflag:s29] =	ssyncadd.s32 $0xFFFFFFFF  }
0xb4: {  	_ =	strace $0x9000004E  }
0xb5: {  	_ =	sfence  }
0xb6: {  	s30 =	sld [smem:$0x0];
	_ =	sdelay $0x2  }
0xb7: {  	s31 =	sshll.u32 s1, $0xD;
	s1 =	sshrl.u32 s1, $0x2  }
0xb8: {  	s3 =	sand.u32 $0x4000, s31;
	s1 =	sadd.s32 s1, s30  }
0xb9: {  	s0 =	sor.u32 s3, s0;
	s1 =	sshll.u32 s1, $0x11  }
0xba: {  	s0 =	sor.u32 s1, s0  }
0xbb: {  	s0 =	sadd.s32 $0x8F2B, s0  }
0xbc: {  	[sflag:s0] =	ssyncadd.remote.s32 $0x1  }
0xbd: {  	_ =	sfence.sel $0xFFFF  }
0xbe: {  	[dreg:$0x0] =	wrdreg $0xFFFFFFFF;
	(pc) =	sbr.abs _section_cstart, $3  }
0xbf: {  	[dreg:$0x1] =	wrdreg $0xFFFFFFFF  }
0xc0: {  	_ =	task.clear_ibuf [dreg:s6], $0x2FFFF;
	_ =	strace $0x9FFFFFFF  }
0xc1: {  	(tm) =	ssettm $0x7FFFFFFF  }
tec
execute0_lowered:
.L_overlay_start_1:
0x0: {  	(tag) =	ssettag $0x1  }
0x1: {  	s0 =	srdreg.scid  }
0x2: {  	s14 =	rddreg [dreg:$0x0];
	s15 =	sand.u32 $0x1, s0  }
0x3: {  	s1 =	stileid.u32;
	s2 =	simm.s32 $0x0;
	s3 =	sshll.u32 s15, $0x6  }
0x4: {  	s0 =	rddreg [dreg:$0x1];
	s4 =	sshll.u32 s1, $0x7;
	s3 =	sadd.s32 s3, s14  }
0x5: {  	[smem:$0x7FF] =	sst s2;
	s3 =	sadd.s32 s4, s3  }
0x6: {  	_ =	strace $0x8000004D;
	s4 =	sadd.s32 $0x41200, s3;
	s3 =	simm.s32 $0x2  }
0x7: {  	[tilespmem:s2], [sflag:$0x2] =	stream.linear.gather [hbm4b:s4+s2], $0x200, $0x38;
	[tilespmem:$0x10200] =	vst v63  }
0x8: {  	_ =	swait.ge [sflag:s3], $0x200  }
0x9: {  	s6 =	simm.s32 $0x80;
	[sflag:s3] =	ssyncset.done $0x0  }
0xa: {  	s7 =	simm.s32 $0x200;
	s5 =	sadd.s32 $0x1200, s14;
	[sflag:s3] =	ssyncadd.s32 $0xFFFFFE00  }
0xb: {  	[tilespmem:s7], [sflag:$0x1] =	stream.indirect.gather [hbm4b:s5+s6], $0x80, s2, s6, $0xb8;
	[tilespmem:$0x10200] =	vst v63  }
0xc: {  	s8 =	simm.s32 $0x4200  }
0xd: {  	[tilespmem:s8], [sflag:$0x1] =	stream.indirect.gather [hbm4b:s5+s6], $0x80, s6, s6, $0xb8;
	[tilespmem:$0x10200] =	vst v63  }
0xe: {  	s9 =	simm.s32 $0x100;
	s10 =	simm.s32 $0x8200  }
0xf: {  	[tilespmem:s10], [sflag:$0x1] =	stream.indirect.gather [hbm4b:s5+s6], $0x80, s9, s6, $0xb8;
	[tilespmem:$0x10200] =	vst v63  }
0x10: {  	s11 =	simm.s32 $0x180;
	s12 =	simm.s32 $0xC200;
	s13 =	simm.s32 $0x1  }
0x11: {  	[tilespmem:s12], [sflag:$0x1] =	stream.indirect.gather [hbm4b:s5+s6], $0x80, s11, s6, $0xb8;
	[tilespmem:$0x10200] =	vst v63  }
0x12: {  	_ =	swait.ge [sflag:s13], $0x4000  }
0x13: {  	[sflag:s13] =	ssyncset.done $0x0  }
0x14: {  	[sflag:s13] =	ssyncadd.s32 $0xFFFFC000  }
0x15: {  	_ =	swait.ge [sflag:s13], $0x4000  }
0x16: {  	[sflag:s13] =	ssyncset.done $0x0  }
0x17: {  	s16 =	sshll.u32 s15, $0xD;
	s15 =	ssub.s32 $0x2, s15;
	[sflag:s13] =	ssyncadd.s32 $0xFFFFC000  }
0x18: {  	s31 =	sshrl.u32 s15, $0x1;
	_ =	swait.ge [sflag:s13], $0x4000  }
0x19: {  	s15 =	ssub.s32 s15, s31;
	[sflag:s13] =	ssyncset.done $0x0  }
0x1a: {  	s17 =	sshll.u32 s1, $0xE;
	s15 =	smax.u32 s15, $0x1;
	[sflag:s13] =	ssyncadd.s32 $0xFFFFC000  }
0x1b: {  	s14 =	sadd.s32 s16, s14;
	p0 =	sne.s32 s15, $0x1;
	_ =	swait.ge [sflag:s13], $0x4000  }
.Ltmp0:
0x1c: {  	s14 =	sadd.s32 s17, s14;
	[sflag:s13] =	ssyncset.done $0x0;
	(pc) =	sbr.rel @!p0 .LBB2_2-.Ltmp0, $4  }
0x1d: {  	s14 =	sadd.s32 $0x41A00, s14;
	[sflag:s13] =	ssyncadd.s32 $0xFFFFC000  }
0x1e: {  	[hbm4b:s14+s2] =	stream.linear.scatter [tilespmem:s7], [sflag:$0x2], $0x10000, $0x38;
	[tilespmem:$0x10200] =	vst v63  }
0x1f: {  	_ =	swait.ge [sflag:s3], $0x10000  }
0x20: {  	s15 =	sadd.s32 $0xFFFFFFFF, s15;
	[sflag:s3] =	ssyncset.done $0x0  }
.LBB2_1:
0x21: {  	p0 =	sne.s32 s15, $0x1;
	s15 =	sadd.s32 $0xFFFFFFFF, s15;
	[sflag:s3] =	ssyncadd.s32 $0xFFFF0000  }
0x22: {  	[tilespmem:s2], [sflag:$0x2] =	stream.linear.gather [hbm4b:s4+s2], $0x200, $0x38;
	[tilespmem:$0x10200] =	vst v63  }
0x23: {  	_ =	swait.ge [sflag:s3], $0x200  }
0x24: {  	[sflag:s3] =	ssyncset.done $0x0  }
0x25: {  	[sflag:s3] =	ssyncadd.s32 $0xFFFFFE00  }
0x26: {  	[tilespmem:s7], [sflag:$0x1] =	stream.indirect.gather [hbm4b:s5+s6], $0x80, s2, s6, $0xb8;
	[tilespmem:$0x10200] =	vst v63  }
0x27: {  	_ = 	snop  }
0x28: {  	[tilespmem:s8], [sflag:$0x1] =	stream.indirect.gather [hbm4b:s5+s6], $0x80, s6, s6, $0xb8;
	[tilespmem:$0x10200] =	vst v63  }
0x29: {  	_ = 	snop  }
0x2a: {  	[tilespmem:s10], [sflag:$0x1] =	stream.indirect.gather [hbm4b:s5+s6], $0x80, s9, s6, $0xb8;
	[tilespmem:$0x10200] =	vst v63  }
0x2b: {  	_ = 	snop  }
0x2c: {  	[tilespmem:s12], [sflag:$0x1] =	stream.indirect.gather [hbm4b:s5+s6], $0x80, s11, s6, $0xb8;
	[tilespmem:$0x10200] =	vst v63  }
0x2d: {  	_ =	swait.ge [sflag:s13], $0x4000  }
0x2e: {  	[sflag:s13] =	ssyncset.done $0x0  }
0x2f: {  	[sflag:s13] =	ssyncadd.s32 $0xFFFFC000  }
0x30: {  	_ =	swait.ge [sflag:s13], $0x4000  }
0x31: {  	[sflag:s13] =	ssyncset.done $0x0  }
0x32: {  	[sflag:s13] =	ssyncadd.s32 $0xFFFFC000  }
0x33: {  	_ =	swait.ge [sflag:s13], $0x4000  }
0x34: {  	[sflag:s13] =	ssyncset.done $0x0  }
0x35: {  	[sflag:s13] =	ssyncadd.s32 $0xFFFFC000  }
0x36: {  	_ =	swait.ge [sflag:s13], $0x4000  }
.Ltmp1:
0x37: {  	[sflag:s13] =	ssyncset.done $0x0;
	(pc) =	sbr.rel @p0 .LBB2_1-.Ltmp1, $4  }
0x38: {  	[sflag:s13] =	ssyncadd.s32 $0xFFFFC000  }
0x39: {  	[hbm4b:s14+s2] =	stream.linear.scatter [tilespmem:s7], [sflag:$0x2], $0x10000, $0x38;
	[tilespmem:$0x10200] =	vst v63  }
0x3a: {  	_ =	swait.ge [sflag:s3], $0x10000  }
0x3b: {  	[sflag:s3] =	ssyncset.done $0x0  }
.LBB2_2:
0x3c: {  	[sflag:s3] =	ssyncadd.s32 $0xFFFF0000  }
0x3d: {  	_ =	sfence.sel $0x180000  }
0x3e: {  	[bflag:$0x0] =	sbarrier.arrive $0xFFFF  }
0x3f: {  	p0 =	sne.s32 s1, $0x0;
	_ =	strace $0x9000004D  }
0x40: {  	s0 =	sadd.s32 @!p0 $0x100000, s0;
	[bflag:$0x2] =	sbarrier.arrive $0xFFFF  }
0x41: {  	[sflag:s0] =	ssyncadd.tile.s32 @!p0 $0x1;
	_ =	shalt  }
.Lfunc_end2:
_tile_overlayer_lowered:
.L_overlay_start_2:
0x42: {  	(tag) =	ssettag $0x2  }
0x43: {  	s0 =	rddreg [dreg:$0x0];
	s2 =	stileid.u32  }
0x44: {  	s1 =	rddreg [dreg:$0x1];
	p0 =	sne.s32 s2, $0x0  }
0x45: {  	s3 =	rddreg [dreg:$0x2];
	[bflag:$0x3] =	sbarrier.arrive $0xFFFF;
	s2 =	simm.s32 @!p0 $0x1C02  }
0x46: {  	[timem:s3], [sflag:s2] =	dma.local @!p0 [hbm:s0], s1  }
0x47: {  	s0 =	simm.s32 @!p0 $0x2  }
0x48: {  	_ =	swait.ge @!p0 [sflag:s0], s1  }
0x49: {  	s1 =	ssub.s32 @!p0 $0x0, s1;
	[sflag:s0] =	ssyncset.done @!p0 $0x0  }
0x4a: {  	[sflag:s0] =	ssyncadd.s32 @!p0 s1  }
0x4b: {  	[bflag:$0x3] =	sbarrier.arrive $0xFFFF  }
0x4c: {  	_ =	shalt  }

</sc_bundles>
